<compile_context>
chip_gen: v7x
topology: tpu7x:2x2x1
jax: 0.10.2.dev20260603
libtpu: 0.0.44.dev20260713+nightly
codegen_flags: <defaults>
</compile_context>

<pallas_src>
import functools

import jax
import jax.numpy as jnp
from jax import lax
from jax.experimental import pallas as pl
from jax.experimental.pallas import tpu as pltpu
from jax.experimental.pallas import tpu_sc as plsc

_N = 100000
_D = 128
_K = 16

_TC_ROWS = 52000
_SC_ROWS = _N - _TC_ROWS

_BLK = 13000
_GRID = _TC_ROWS // _BLK
_U = 25
_C = _BLK // (8 * _U)

_L = 16
_G = _D // _L
_NC = 2
_NS = 16
_NW = _NC * _NS
_WROWS = _SC_ROWS // _NW
_CH_ROWS = 125
_CH_F = _CH_ROWS * _D
_NCHUNK = _WROWS // _CH_ROWS
assert _WROWS % _CH_ROWS == 0 and _TC_ROWS % _BLK == 0


def _sc_body(x_hbm, out_hbm, buf0, buf1, part, sem0, sem1):
    wid = lax.axis_index("s") * _NC + lax.axis_index("c")
    base = (_TC_ROWS + wid * _WROWS) * _D

    def issue(buf, sem, chunk):
        return pltpu.async_copy(
            x_hbm.at[pl.ds(base + chunk * _CH_F, _CH_F)], buf, sem)

    def wait(buf, sem):
        pltpu.make_async_copy(x_hbm.at[pl.ds(0, _CH_F)], buf, sem).wait()

    def accum(buf, accs):
        def rows_body(r, accs):
            accs = list(accs)
            off = r * (5 * _D)
            for rr in range(5):
                for g in range(_G):
                    v = buf[pl.ds(off + rr * _D + g * _L, _L)]
                    accs[g] = accs[g] + v
                    accs[_G + g] = accs[_G + g] + v * v
            return tuple(accs)

        return lax.fori_loop(0, _CH_ROWS // 5, rows_body, accs,
                             unroll=False)

    issue(buf0, sem0, 0)
    issue(buf1, sem1, 1)
    zero = jnp.zeros((_L,), jnp.float32)
    accs = tuple(zero for _ in range(2 * _G))

    def pair_body(jj, accs):
        c = jj * 2
        wait(buf0, sem0)
        accs = accum(buf0, accs)

        @pl.when(c + 2 < _NCHUNK)
        def _():
            issue(buf0, sem0, c + 2)

        wait(buf1, sem1)
        accs = accum(buf1, accs)

        @pl.when(c + 3 < _NCHUNK)
        def _():
            issue(buf1, sem1, c + 3)

        return accs

    accs = lax.fori_loop(0, _NCHUNK // 2, pair_body, accs, unroll=False)
    if _NCHUNK % 2:
        wait(buf0, sem0)
        accs = accum(buf0, accs)

    for g in range(_G):
        part[0, pl.ds(g * _L, _L)] = accs[g]
        part[1, pl.ds(g * _L, _L)] = accs[_G + g]
    pltpu.sync_copy(part, out_hbm.at[pl.ds(2 * wid, 2)])


@functools.partial(
    pl.kernel,
    out_type=jax.ShapeDtypeStruct((2 * _NW, _D), jnp.float32),
    mesh=plsc.VectorSubcoreMesh(core_axis_name="c", subcore_axis_name="s"),
    scratch_types=[
        pltpu.VMEM((_CH_F,), jnp.float32),
        pltpu.VMEM((_CH_F,), jnp.float32),
        pltpu.VMEM((2, _D), jnp.float32),
        pltpu.SemaphoreType.DMA,
        pltpu.SemaphoreType.DMA,
    ],
)
def _sc_partials(x_hbm, out_hbm, buf0, buf1, part, sem0, sem1):
    _sc_body(x_hbm, out_hbm, buf0, buf1, part, sem0, sem1)


def _sel_row(gid_ref, sel_ref):
    sub = gid_ref[0] % 8
    rows = jax.lax.broadcasted_iota(jnp.int32, (8, _D), 0)
    return jnp.sum(jnp.where(rows == sub, sel_ref[...], 0.0), axis=0,
                   keepdims=True)


def _tc_body(gid_ref, sel_ref, x_ref, out_ref):
    i = pl.program_id(0)

    @pl.when(i == 0)
    def _init():
        out_ref[...] = jnp.zeros_like(out_ref)

    sel = _sel_row(gid_ref, sel_ref)
    y = x_ref[...].reshape(_U, _C * 8, _D)
    acc = None
    for c in range(_C):
        d = y[:, c * 8:(c + 1) * 8, :] - sel
        s = d * d
        acc = s if acc is None else acc + s
    m = _U
    while m > 1:
        half = m // 2
        rest = acc[2 * half:]
        acc = acc[:half] + acc[half:2 * half]
        if rest.shape[0]:
            acc = jnp.concatenate([acc, rest], axis=0)
        m = acc.shape[0]
    out_ref[...] += acc[0]


def _finish_body(gid_ref, sel_ref, tc_ref, parts_ref, out_ref):
    sel = _sel_row(gid_ref, sel_ref)
    p = parts_ref[...].reshape(_NW, 2, _D)
    m = _NW
    while m > 1:
        half = m // 2
        p = p[:half] + p[half:]
        m = half
    s1 = p[0, 0:1, :]
    s2 = p[0, 1:2, :]
    d2_sc = s2 - 2.0 * sel * s1 + jnp.float32(_SC_ROWS) * sel * sel
    d2 = d2_sc + jnp.sum(tc_ref[...], axis=0, keepdims=True)
    dist = jnp.sqrt(jnp.maximum(d2, 0.0))
    lane = jax.lax.broadcasted_iota(jnp.int32, (1, _D), 1)
    total = jnp.float32(0.0)
    work = dist
    for _ in range(_K):
        mn = jnp.min(work)
        total = total + mn
        hit = work == mn
        first = jnp.min(jnp.where(hit, lane, _D))
        work = jnp.where(lane == first, jnp.float32(jnp.inf), work)
    out_ref[0, 0] = total / _K


@jax.jit
def _run(gid, x):
    parts = _sc_partials(x.reshape(-1))
    tc_spec = pltpu.PrefetchScalarGridSpec(
        num_scalar_prefetch=1,
        grid=(_GRID,),
        in_specs=[
            pl.BlockSpec((8, _D), lambda i, g: (g[0] // 8, 0)),
            pl.BlockSpec((_BLK, _D), lambda i, g: (i, 0)),
        ],
        out_specs=pl.BlockSpec((8, _D), lambda i, g: (0, 0)),
    )
    tc_part = pl.pallas_call(
        _tc_body,
        grid_spec=tc_spec,
        out_shape=jax.ShapeDtypeStruct((8, _D), jnp.float32),
        compiler_params=pltpu.CompilerParams(
            dimension_semantics=("arbitrary",)),
    )(gid, x, x)
    fin_spec = pltpu.PrefetchScalarGridSpec(
        num_scalar_prefetch=1,
        grid=(1,),
        in_specs=[
            pl.BlockSpec((8, _D), lambda i, g: (g[0] // 8, 0)),
            pl.BlockSpec((8, _D), lambda i, g: (0, 0)),
            pl.BlockSpec((2 * _NW, _D), lambda i, g: (0, 0)),
        ],
        out_specs=pl.BlockSpec(memory_space=pltpu.SMEM),
    )
    out = pl.pallas_call(
        _finish_body,
        grid_spec=fin_spec,
        out_shape=jax.ShapeDtypeStruct((1, 1), jnp.float32),
    )(gid, x, tc_part, parts)
    return out[0, 0]


def kernel(group_id, all_latents):
    gid = jnp.asarray(group_id, jnp.int32).reshape(1)
    return _run(gid, all_latents)

# --- scband reference (transcript-rebuilt; emitter-appended) ---
"""Pipeline reference for scband-latent-manifold-loss-57870389346403 (READ-ONLY COPY).

The authoritative reference and input builder live on the scoring server;
editing this copy changes nothing except your own understanding.
"""

import jax, jax.numpy as jnp
import numpy as np

NEIGHBORS = 16
N_POINTS = 100000
D_LATENT = 128

def setup_inputs(seed: int = 0) -> dict:
    key = jax.random.key(seed)
    all_latents = jax.random.normal(key, (N_POINTS, D_LATENT), dtype=jnp.float32)
    group_id = 777  # scalar index into all_latents rows
    return {"group_id": group_id, "all_latents": all_latents}

def reference(group_id, all_latents):
    # selected_latents = all_latents[group_id] -> [d]
    selected_latents = all_latents[group_id]
    # diff = selected[None, :] - all_latents -> [N, d]
    diff = selected_latents[None, :] - all_latents
    # torch.norm(diff, p=2, dim=0): L2 norm reduced over the N axis -> [d]
    dist = jnp.sqrt(jnp.sum(diff * diff, axis=0))
    # dist_mean computed in original but unused for the returned loss
    dist_mean = dist.mean(axis=0)
    # torch.topk(dist, k, largest=False)[0]: k smallest values along the d axis
    neg_vals, _ = jax.lax.top_k(-dist, NEIGHBORS)
    dist_small = -neg_vals
    loss = dist_small.mean()
    return loss

if __name__ == "__main__":
    import jax
    _d = setup_inputs()
    print(jax.jit(kernel)(*tuple(_d.values())))

</pallas_src>

<mosaic_0001>
#map = affine_map<(d0, d1) -> (0)>
#map1 = affine_map<(d0, d1) -> (0, 0)>
module attributes {stable_mosaic.version = 14 : i64} {
  func.func @_sc_partials(%arg0: i32, %arg1: i32, %arg2: memref<12800000xf32, #tpu.memory_space<hbm>>, %arg3: memref<64x128xf32, #tpu.memory_space<hbm>>, %arg4: memref<16000xf32, #tpu.memory_space<vmem>>, %arg5: memref<16000xf32, #tpu.memory_space<vmem>>, %arg6: memref<2x128xf32, #tpu.memory_space<vmem>>, %arg7: memref<!tpu.dma_semaphore, #tpu.memory_space<semaphore_mem>>, %arg8: memref<!tpu.dma_semaphore, #tpu.memory_space<semaphore_mem>>) attributes {dimension_semantics = [#tpu.dimension_semantics<core_parallel>, #tpu.dimension_semantics<subcore_parallel>], iteration_bounds = array<i64: 2, 16>, scalar_prefetch = 0 : i64, scratch_operands = 5 : i64, tpu.core_type = #tpu.core_type<sc_vector_subcore>, window_params = [{transform_indices = #map}, {transform_indices = #map1}]} {
    %mul3A = arith.constant 2 : i32
    %mul3A_0 = arith.muli %arg1, %mul3A : i32
    %add3A = arith.addi %mul3A_0, %arg0 : i32
    %mul3A_1 = arith.constant 1500 : i32
    %mul3A_2 = arith.muli %add3A, %mul3A_1 : i32
    %add3A_3 = arith.constant 52000 : i32
    %add3A_4 = arith.addi %add3A_3, %mul3A_2 : i32
    %mul3A_5 = arith.constant 128 : i32
    %mul3A_6 = arith.muli %add3A_4, %mul3A_5 : i32
    %add3A_7 = arith.constant 0 : i32
    %add3A_8 = arith.addi %mul3A_6, %add3A_7 : i32
    %dma_start3A = tpu.memref_slice %arg2[%add3A_8] : memref<12800000xf32, #tpu.memory_space<hbm>> -> memref<16000xf32, #tpu.memory_space<hbm>>
    %dma_start3A_9 = tpu.memref_slice %arg2[%add3A_8] : memref<12800000xf32, #tpu.memory_space<hbm>> -> memref<16000xf32, #tpu.memory_space<hbm>>
    tpu.enqueue_dma source(%dma_start3A_9 : memref<16000xf32, #tpu.memory_space<hbm>>) target(%arg4 : memref<16000xf32, #tpu.memory_space<vmem>>) target_semaphore(%arg7 : memref<!tpu.dma_semaphore, #tpu.memory_space<semaphore_mem>>)
    %add3A_10 = arith.constant 16000 : i32
    %add3A_11 = arith.addi %mul3A_6, %add3A_10 : i32
    %dma_start3A_12 = tpu.memref_slice %arg2[%add3A_11] : memref<12800000xf32, #tpu.memory_space<hbm>> -> memref<16000xf32, #tpu.memory_space<hbm>>
    %dma_start3A_13 = tpu.memref_slice %arg2[%add3A_11] : memref<12800000xf32, #tpu.memory_space<hbm>> -> memref<16000xf32, #tpu.memory_space<hbm>>
    tpu.enqueue_dma source(%dma_start3A_13 : memref<16000xf32, #tpu.memory_space<hbm>>) target(%arg5 : memref<16000xf32, #tpu.memory_space<vmem>>) target_semaphore(%arg8 : memref<!tpu.dma_semaphore, #tpu.memory_space<semaphore_mem>>)
    %broadcast_in_dim3A = arith.constant 0.000000e+00 : f32
    %broadcast_in_dim3A_14 = vector.broadcast %broadcast_in_dim3A : f32 to vector<16xf32>
    %scan3A = arith.constant 0 : i32
    %scan3A_15 = arith.constant 6 : i32
    %scan3A_16 = arith.addi %scan3A, %scan3A_15 : i32
    %scan3A_17 = arith.constant 1 : i32
    %scan3A_18:16 = scf.for %scan3A_117 = %scan3A to %scan3A_16 step %scan3A_17 iter_args(%scan3A_118 = %broadcast_in_dim3A_14, %scan3A_119 = %broadcast_in_dim3A_14, %scan3A_120 = %broadcast_in_dim3A_14, %scan3A_121 = %broadcast_in_dim3A_14, %scan3A_122 = %broadcast_in_dim3A_14, %scan3A_123 = %broadcast_in_dim3A_14, %scan3A_124 = %broadcast_in_dim3A_14, %scan3A_125 = %broadcast_in_dim3A_14, %scan3A_126 = %broadcast_in_dim3A_14, %scan3A_127 = %broadcast_in_dim3A_14, %scan3A_128 = %broadcast_in_dim3A_14, %scan3A_129 = %broadcast_in_dim3A_14, %scan3A_130 = %broadcast_in_dim3A_14, %scan3A_131 = %broadcast_in_dim3A_14, %scan3A_132 = %broadcast_in_dim3A_14, %scan3A_133 = %broadcast_in_dim3A_14) -> (vector<16xf32>, vector<16xf32>, vector<16xf32>, vector<16xf32>, vector<16xf32>, vector<16xf32>, vector<16xf32>, vector<16xf32>, vector<16xf32>, vector<16xf32>, vector<16xf32>, vector<16xf32>, vector<16xf32>, vector<16xf32>, vector<16xf32>, vector<16xf32>)  : i32 {
      %mul3A_134 = arith.constant 2 : i32
      %mul3A_135 = arith.muli %scan3A_117, %mul3A_134 : i32
      %dma_wait3A = arith.constant 0 : i32
      %dma_wait3A_136 = tpu.memref_slice %arg2[%dma_wait3A] : memref<12800000xf32, #tpu.memory_space<hbm>> -> memref<16000xf32, #tpu.memory_space<hbm>>
      %dma_wait3A_137 = arith.constant 0 : i32
      %dma_wait3A_138 = tpu.memref_slice %arg2[%dma_wait3A_137] : memref<12800000xf32, #tpu.memory_space<hbm>> -> memref<16000xf32, #tpu.memory_space<hbm>>
      tpu.wait_dma2 semaphore(%arg7 : memref<!tpu.dma_semaphore, #tpu.memory_space<semaphore_mem>>) src(%dma_wait3A_138 : memref<16000xf32, #tpu.memory_space<hbm>>) dst(%arg4 : memref<16000xf32, #tpu.memory_space<vmem>>)
      %scan3A_139 = arith.constant 0 : i32
      %scan3A_140 = arith.constant 25 : i32
      %scan3A_141 = arith.addi %scan3A_139, %scan3A_140 : i32
      %scan3A_142 = arith.constant 1 : i32
      %scan3A_143:16 = scf.for %scan3A_166 = %scan3A_139 to %scan3A_141 step %scan3A_142 iter_args(%scan3A_167 = %scan3A_118, %scan3A_168 = %scan3A_119, %scan3A_169 = %scan3A_120, %scan3A_170 = %scan3A_121, %scan3A_171 = %scan3A_122, %scan3A_172 = %scan3A_123, %scan3A_173 = %scan3A_124, %scan3A_174 = %scan3A_125, %scan3A_175 = %scan3A_126, %scan3A_176 = %scan3A_127, %scan3A_177 = %scan3A_128, %scan3A_178 = %scan3A_129, %scan3A_179 = %scan3A_130, %scan3A_180 = %scan3A_131, %scan3A_181 = %scan3A_132, %scan3A_182 = %scan3A_133) -> (vector<16xf32>, vector<16xf32>, vector<16xf32>, vector<16xf32>, vector<16xf32>, vector<16xf32>, vector<16xf32>, vector<16xf32>, vector<16xf32>, vector<16xf32>, vector<16xf32>, vector<16xf32>, vector<16xf32>, vector<16xf32>, vector<16xf32>, vector<16xf32>)  : i32 {
        %mul3A_183 = arith.constant 640 : i32
        %mul3A_184 = arith.muli %scan3A_166, %mul3A_183 : i32
        %add3A_185 = arith.constant 0 : i32
        %add3A_186 = arith.addi %mul3A_184, %add3A_185 : i32
        %add3A_187 = arith.constant 0 : i32
        %add3A_188 = arith.addi %add3A_186, %add3A_187 : i32
        %get3A = arith.index_cast %add3A_188 : i32 to index
        %get3A_189 = tpu.vector_load %arg4[%get3A] {strides = array<i32>} : memref<16000xf32, #tpu.memory_space<vmem>>, vector<16xf32>,
        %get3A_190 = vector.shape_cast %get3A_189 : vector<16xf32> to vector<16xf32>
        %add3A_191 = arith.addf %scan3A_167, %get3A_190 : vector<16xf32>
        %mul3A_192 = arith.mulf %get3A_190, %get3A_190 : vector<16xf32>
        %add3A_193 = arith.addf %scan3A_175, %mul3A_192 : vector<16xf32>
        %add3A_194 = arith.constant 0 : i32
        %add3A_195 = arith.addi %mul3A_184, %add3A_194 : i32
        %add3A_196 = arith.constant 16 : i32
        %add3A_197 = arith.addi %add3A_195, %add3A_196 : i32
        %get3A_198 = arith.index_cast %add3A_197 : i32 to index
        %get3A_199 = tpu.vector_load %arg4[%get3A_198] {strides = array<i32>} : memref<16000xf32, #tpu.memory_space<vmem>>, vector<16xf32>,
        %get3A_200 = vector.shape_cast %get3A_199 : vector<16xf32> to vector<16xf32>
        %add3A_201 = arith.addf %scan3A_168, %get3A_200 : vector<16xf32>
        %mul3A_202 = arith.mulf %get3A_200, %get3A_200 : vector<16xf32>
        %add3A_203 = arith.addf %scan3A_176, %mul3A_202 : vector<16xf32>
        %add3A_204 = arith.constant 0 : i32
        %add3A_205 = arith.addi %mul3A_184, %add3A_204 : i32
        %add3A_206 = arith.constant 32 : i32
        %add3A_207 = arith.addi %add3A_205, %add3A_206 : i32
        %get3A_208 = arith.index_cast %add3A_207 : i32 to index
        %get3A_209 = tpu.vector_load %arg4[%get3A_208] {strides = array<i32>} : memref<16000xf32, #tpu.memory_space<vmem>>, vector<16xf32>,
        %get3A_210 = vector.shape_cast %get3A_209 : vector<16xf32> to vector<16xf32>
        %add3A_211 = arith.addf %scan3A_169, %get3A_210 : vector<16xf32>
        %mul3A_212 = arith.mulf %get3A_210, %get3A_210 : vector<16xf32>
        %add3A_213 = arith.addf %scan3A_177, %mul3A_212 : vector<16xf32>
        %add3A_214 = arith.constant 0 : i32
        %add3A_215 = arith.addi %mul3A_184, %add3A_214 : i32
        %add3A_216 = arith.constant 48 : i32
        %add3A_217 = arith.addi %add3A_215, %add3A_216 : i32
        %get3A_218 = arith.index_cast %add3A_217 : i32 to index
        %get3A_219 = tpu.vector_load %arg4[%get3A_218] {strides = array<i32>} : memref<16000xf32, #tpu.memory_space<vmem>>, vector<16xf32>,
        %get3A_220 = vector.shape_cast %get3A_219 : vector<16xf32> to vector<16xf32>
        %add3A_221 = arith.addf %scan3A_170, %get3A_220 : vector<16xf32>
        %mul3A_222 = arith.mulf %get3A_220, %get3A_220 : vector<16xf32>
        %add3A_223 = arith.addf %scan3A_178, %mul3A_222 : vector<16xf32>
        %add3A_224 = arith.constant 0 : i32
        %add3A_225 = arith.addi %mul3A_184, %add3A_224 : i32
        %add3A_226 = arith.constant 64 : i32
        %add3A_227 = arith.addi %add3A_225, %add3A_226 : i32
        %get3A_228 = arith.index_cast %add3A_227 : i32 to index
        %get3A_229 = tpu.vector_load %arg4[%get3A_228] {strides = array<i32>} : memref<16000xf32, #tpu.memory_space<vmem>>, vector<16xf32>,
        %get3A_230 = vector.shape_cast %get3A_229 : vector<16xf32> to vector<16xf32>
        %add3A_231 = arith.addf %scan3A_171, %get3A_230 : vector<16xf32>
        %mul3A_232 = arith.mulf %get3A_230, %get3A_230 : vector<16xf32>
        %add3A_233 = arith.addf %scan3A_179, %mul3A_232 : vector<16xf32>
        %add3A_234 = arith.constant 0 : i32
        %add3A_235 = arith.addi %mul3A_184, %add3A_234 : i32
        %add3A_236 = arith.constant 80 : i32
        %add3A_237 = arith.addi %add3A_235, %add3A_236 : i32
        %get3A_238 = arith.index_cast %add3A_237 : i32 to index
        %get3A_239 = tpu.vector_load %arg4[%get3A_238] {strides = array<i32>} : memref<16000xf32, #tpu.memory_space<vmem>>, vector<16xf32>,
        %get3A_240 = vector.shape_cast %get3A_239 : vector<16xf32> to vector<16xf32>
        %add3A_241 = arith.addf %scan3A_172, %get3A_240 : vector<16xf32>
        %mul3A_242 = arith.mulf %get3A_240, %get3A_240 : vector<16xf32>
        %add3A_243 = arith.addf %scan3A_180, %mul3A_242 : vector<16xf32>
        %add3A_244 = arith.constant 0 : i32
        %add3A_245 = arith.addi %mul3A_184, %add3A_244 : i32
        %add3A_246 = arith.constant 96 : i32
        %add3A_247 = arith.addi %add3A_245, %add3A_246 : i32
        %get3A_248 = arith.index_cast %add3A_247 : i32 to index
        %get3A_249 = tpu.vector_load %arg4[%get3A_248] {strides = array<i32>} : memref<16000xf32, #tpu.memory_space<vmem>>, vector<16xf32>,
        %get3A_250 = vector.shape_cast %get3A_249 : vector<16xf32> to vector<16xf32>
        %add3A_251 = arith.addf %scan3A_173, %get3A_250 : vector<16xf32>
        %mul3A_252 = arith.mulf %get3A_250, %get3A_250 : vector<16xf32>
        %add3A_253 = arith.addf %scan3A_181, %mul3A_252 : vector<16xf32>
        %add3A_254 = arith.constant 0 : i32
        %add3A_255 = arith.addi %mul3A_184, %add3A_254 : i32
        %add3A_256 = arith.constant 112 : i32
        %add3A_257 = arith.addi %add3A_255, %add3A_256 : i32
        %get3A_258 = arith.index_cast %add3A_257 : i32 to index
        %get3A_259 = tpu.vector_load %arg4[%get3A_258] {strides = array<i32>} : memref<16000xf32, #tpu.memory_space<vmem>>, vector<16xf32>,
        %get3A_260 = vector.shape_cast %get3A_259 : vector<16xf32> to vector<16xf32>
        %add3A_261 = arith.addf %scan3A_174, %get3A_260 : vector<16xf32>
        %mul3A_262 = arith.mulf %get3A_260, %get3A_260 : vector<16xf32>
        %add3A_263 = arith.addf %scan3A_182, %mul3A_262 : vector<16xf32>
        %add3A_264 = arith.constant 128 : i32
        %add3A_265 = arith.addi %mul3A_184, %add3A_264 : i32
        %add3A_266 = arith.constant 0 : i32
        %add3A_267 = arith.addi %add3A_265, %add3A_266 : i32
        %get3A_268 = arith.index_cast %add3A_267 : i32 to index
        %get3A_269 = tpu.vector_load %arg4[%get3A_268] {strides = array<i32>} : memref<16000xf32, #tpu.memory_space<vmem>>, vector<16xf32>,
        %get3A_270 = vector.shape_cast %get3A_269 : vector<16xf32> to vector<16xf32>
        %add3A_271 = arith.addf %add3A_191, %get3A_270 : vector<16xf32>
        %mul3A_272 = arith.mulf %get3A_270, %get3A_270 : vector<16xf32>
        %add3A_273 = arith.addf %add3A_193, %mul3A_272 : vector<16xf32>
        %add3A_274 = arith.constant 128 : i32
        %add3A_275 = arith.addi %mul3A_184, %add3A_274 : i32
        %add3A_276 = arith.constant 16 : i32
        %add3A_277 = arith.addi %add3A_275, %add3A_276 : i32
        %get3A_278 = arith.index_cast %add3A_277 : i32 to index
        %get3A_279 = tpu.vector_load %arg4[%get3A_278] {strides = array<i32>} : memref<16000xf32, #tpu.memory_space<vmem>>, vector<16xf32>,
        %get3A_280 = vector.shape_cast %get3A_279 : vector<16xf32> to vector<16xf32>
        %add3A_281 = arith.addf %add3A_201, %get3A_280 : vector<16xf32>
        %mul3A_282 = arith.mulf %get3A_280, %get3A_280 : vector<16xf32>
        %add3A_283 = arith.addf %add3A_203, %mul3A_282 : vector<16xf32>
        %add3A_284 = arith.constant 128 : i32
        %add3A_285 = arith.addi %mul3A_184, %add3A_284 : i32
        %add3A_286 = arith.constant 32 : i32
        %add3A_287 = arith.addi %add3A_285, %add3A_286 : i32
        %get3A_288 = arith.index_cast %add3A_287 : i32 to index
        %get3A_289 = tpu.vector_load %arg4[%get3A_288] {strides = array<i32>} : memref<16000xf32, #tpu.memory_space<vmem>>, vector<16xf32>,
        %get3A_290 = vector.shape_cast %get3A_289 : vector<16xf32> to vector<16xf32>
        %add3A_291 = arith.addf %add3A_211, %get3A_290 : vector<16xf32>
        %mul3A_292 = arith.mulf %get3A_290, %get3A_290 : vector<16xf32>
        %add3A_293 = arith.addf %add3A_213, %mul3A_292 : vector<16xf32>
        %add3A_294 = arith.constant 128 : i32
        %add3A_295 = arith.addi %mul3A_184, %add3A_294 : i32
        %add3A_296 = arith.constant 48 : i32
        %add3A_297 = arith.addi %add3A_295, %add3A_296 : i32
        %get3A_298 = arith.index_cast %add3A_297 : i32 to index
        %get3A_299 = tpu.vector_load %arg4[%get3A_298] {strides = array<i32>} : memref<16000xf32, #tpu.memory_space<vmem>>, vector<16xf32>,
        %get3A_300 = vector.shape_cast %get3A_299 : vector<16xf32> to vector<16xf32>
        %add3A_301 = arith.addf %add3A_221, %get3A_300 : vector<16xf32>
        %mul3A_302 = arith.mulf %get3A_300, %get3A_300 : vector<16xf32>
        %add3A_303 = arith.addf %add3A_223, %mul3A_302 : vector<16xf32>
        %add3A_304 = arith.constant 128 : i32
        %add3A_305 = arith.addi %mul3A_184, %add3A_304 : i32
        %add3A_306 = arith.constant 64 : i32
        %add3A_307 = arith.addi %add3A_305, %add3A_306 : i32
        %get3A_308 = arith.index_cast %add3A_307 : i32 to index
        %get3A_309 = tpu.vector_load %arg4[%get3A_308] {strides = array<i32>} : memref<16000xf32, #tpu.memory_space<vmem>>, vector<16xf32>,
        %get3A_310 = vector.shape_cast %get3A_309 : vector<16xf32> to vector<16xf32>
        %add3A_311 = arith.addf %add3A_231, %get3A_310 : vector<16xf32>
        %mul3A_312 = arith.mulf %get3A_310, %get3A_310 : vector<16xf32>
        %add3A_313 = arith.addf %add3A_233, %mul3A_312 : vector<16xf32>
        %add3A_314 = arith.constant 128 : i32
        %add3A_315 = arith.addi %mul3A_184, %add3A_314 : i32
        %add3A_316 = arith.constant 80 : i32
        %add3A_317 = arith.addi %add3A_315, %add3A_316 : i32
        %get3A_318 = arith.index_cast %add3A_317 : i32 to index
        %get3A_319 = tpu.vector_load %arg4[%get3A_318] {strides = array<i32>} : memref<16000xf32, #tpu.memory_space<vmem>>, vector<16xf32>,
        %get3A_320 = vector.shape_cast %get3A_319 : vector<16xf32> to vector<16xf32>
        %add3A_321 = arith.addf %add3A_241, %get3A_320 : vector<16xf32>
        %mul3A_322 = arith.mulf %get3A_320, %get3A_320 : vector<16xf32>
        %add3A_323 = arith.addf %add3A_243, %mul3A_322 : vector<16xf32>
        %add3A_324 = arith.constant 128 : i32
        %add3A_325 = arith.addi %mul3A_184, %add3A_324 : i32
        %add3A_326 = arith.constant 96 : i32
        %add3A_327 = arith.addi %add3A_325, %add3A_326 : i32
        %get3A_328 = arith.index_cast %add3A_327 : i32 to index
        %get3A_329 = tpu.vector_load %arg4[%get3A_328] {strides = array<i32>} : memref<16000xf32, #tpu.memory_space<vmem>>, vector<16xf32>,
        %get3A_330 = vector.shape_cast %get3A_329 : vector<16xf32> to vector<16xf32>
        %add3A_331 = arith.addf %add3A_251, %get3A_330 : vector<16xf32>
        %mul3A_332 = arith.mulf %get3A_330, %get3A_330 : vector<16xf32>
        %add3A_333 = arith.addf %add3A_253, %mul3A_332 : vector<16xf32>
        %add3A_334 = arith.constant 128 : i32
        %add3A_335 = arith.addi %mul3A_184, %add3A_334 : i32
        %add3A_336 = arith.constant 112 : i32
        %add3A_337 = arith.addi %add3A_335, %add3A_336 : i32
        %get3A_338 = arith.index_cast %add3A_337 : i32 to index
        %get3A_339 = tpu.vector_load %arg4[%get3A_338] {strides = array<i32>} : memref<16000xf32, #tpu.memory_space<vmem>>, vector<16xf32>,
        %get3A_340 = vector.shape_cast %get3A_339 : vector<16xf32> to vector<16xf32>
        %add3A_341 = arith.addf %add3A_261, %get3A_340 : vector<16xf32>
        %mul3A_342 = arith.mulf %get3A_340, %get3A_340 : vector<16xf32>
        %add3A_343 = arith.addf %add3A_263, %mul3A_342 : vector<16xf32>
        %add3A_344 = arith.constant 256 : i32
        %add3A_345 = arith.addi %mul3A_184, %add3A_344 : i32
        %add3A_346 = arith.constant 0 : i32
        %add3A_347 = arith.addi %add3A_345, %add3A_346 : i32
        %get3A_348 = arith.index_cast %add3A_347 : i32 to index
        %get3A_349 = tpu.vector_load %arg4[%get3A_348] {strides = array<i32>} : memref<16000xf32, #tpu.memory_space<vmem>>, vector<16xf32>,
        %get3A_350 = vector.shape_cast %get3A_349 : vector<16xf32> to vector<16xf32>
        %add3A_351 = arith.addf %add3A_271, %get3A_350 : vector<16xf32>
        %mul3A_352 = arith.mulf %get3A_350, %get3A_350 : vector<16xf32>
        %add3A_353 = arith.addf %add3A_273, %mul3A_352 : vector<16xf32>
        %add3A_354 = arith.constant 256 : i32
        %add3A_355 = arith.addi %mul3A_184, %add3A_354 : i32
        %add3A_356 = arith.constant 16 : i32
        %add3A_357 = arith.addi %add3A_355, %add3A_356 : i32
        %get3A_358 = arith.index_cast %add3A_357 : i32 to index
        %get3A_359 = tpu.vector_load %arg4[%get3A_358] {strides = array<i32>} : memref<16000xf32, #tpu.memory_space<vmem>>, vector<16xf32>,
        %get3A_360 = vector.shape_cast %get3A_359 : vector<16xf32> to vector<16xf32>
        %add3A_361 = arith.addf %add3A_281, %get3A_360 : vector<16xf32>
        %mul3A_362 = arith.mulf %get3A_360, %get3A_360 : vector<16xf32>
        %add3A_363 = arith.addf %add3A_283, %mul3A_362 : vector<16xf32>
        %add3A_364 = arith.constant 256 : i32
        %add3A_365 = arith.addi %mul3A_184, %add3A_364 : i32
        %add3A_366 = arith.constant 32 : i32
        %add3A_367 = arith.addi %add3A_365, %add3A_366 : i32
        %get3A_368 = arith.index_cast %add3A_367 : i32 to index
        %get3A_369 = tpu.vector_load %arg4[%get3A_368] {strides = array<i32>} : memref<16000xf32, #tpu.memory_space<vmem>>, vector<16xf32>,
        %get3A_370 = vector.shape_cast %get3A_369 : vector<16xf32> to vector<16xf32>
        %add3A_371 = arith.addf %add3A_291, %get3A_370 : vector<16xf32>
        %mul3A_372 = arith.mulf %get3A_370, %get3A_370 : vector<16xf32>
        %add3A_373 = arith.addf %add3A_293, %mul3A_372 : vector<16xf32>
        %add3A_374 = arith.constant 256 : i32
        %add3A_375 = arith.addi %mul3A_184, %add3A_374 : i32
        %add3A_376 = arith.constant 48 : i32
        %add3A_377 = arith.addi %add3A_375, %add3A_376 : i32
        %get3A_378 = arith.index_cast %add3A_377 : i32 to index
        %get3A_379 = tpu.vector_load %arg4[%get3A_378] {strides = array<i32>} : memref<16000xf32, #tpu.memory_space<vmem>>, vector<16xf32>,
        %get3A_380 = vector.shape_cast %get3A_379 : vector<16xf32> to vector<16xf32>
        %add3A_381 = arith.addf %add3A_301, %get3A_380 : vector<16xf32>
        %mul3A_382 = arith.mulf %get3A_380, %get3A_380 : vector<16xf32>
        %add3A_383 = arith.addf %add3A_303, %mul3A_382 : vector<16xf32>
        %add3A_384 = arith.constant 256 : i32
        %add3A_385 = arith.addi %mul3A_184, %add3A_384 : i32
        %add3A_386 = arith.constant 64 : i32
        %add3A_387 = arith.addi %add3A_385, %add3A_386 : i32
        %get3A_388 = arith.index_cast %add3A_387 : i32 to index
        %get3A_389 = tpu.vector_load %arg4[%get3A_388] {strides = array<i32>} : memref<16000xf32, #tpu.memory_space<vmem>>, vector<16xf32>,
        %get3A_390 = vector.shape_cast %get3A_389 : vector<16xf32> to vector<16xf32>
        %add3A_391 = arith.addf %add3A_311, %get3A_390 : vector<16xf32>
        %mul3A_392 = arith.mulf %get3A_390, %get3A_390 : vector<16xf32>
        %add3A_393 = arith.addf %add3A_313, %mul3A_392 : vector<16xf32>
        %add3A_394 = arith.constant 256 : i32
        %add3A_395 = arith.addi %mul3A_184, %add3A_394 : i32
        %add3A_396 = arith.constant 80 : i32
        %add3A_397 = arith.addi %add3A_395, %add3A_396 : i32
        %get3A_398 = arith.index_cast %add3A_397 : i32 to index
        %get3A_399 = tpu.vector_load %arg4[%get3A_398] {strides = array<i32>} : memref<16000xf32, #tpu.memory_space<vmem>>, vector<16xf32>,
        %get3A_400 = vector.shape_cast %get3A_399 : vector<16xf32> to vector<16xf32>
        %add3A_401 = arith.addf %add3A_321, %get3A_400 : vector<16xf32>
        %mul3A_402 = arith.mulf %get3A_400, %get3A_400 : vector<16xf32>
        %add3A_403 = arith.addf %add3A_323, %mul3A_402 : vector<16xf32>
        %add3A_404 = arith.constant 256 : i32
        %add3A_405 = arith.addi %mul3A_184, %add3A_404 : i32
        %add3A_406 = arith.constant 96 : i32
        %add3A_407 = arith.addi %add3A_405, %add3A_406 : i32
        %get3A_408 = arith.index_cast %add3A_407 : i32 to index
        %get3A_409 = tpu.vector_load %arg4[%get3A_408] {strides = array<i32>} : memref<16000xf32, #tpu.memory_space<vmem>>, vector<16xf32>,
        %get3A_410 = vector.shape_cast %get3A_409 : vector<16xf32> to vector<16xf32>
        %add3A_411 = arith.addf %add3A_331, %get3A_410 : vector<16xf32>
        %mul3A_412 = arith.mulf %get3A_410, %get3A_410 : vector<16xf32>
        %add3A_413 = arith.addf %add3A_333, %mul3A_412 : vector<16xf32>
        %add3A_414 = arith.constant 256 : i32
        %add3A_415 = arith.addi %mul3A_184, %add3A_414 : i32
        %add3A_416 = arith.constant 112 : i32
        %add3A_417 = arith.addi %add3A_415, %add3A_416 : i32
        %get3A_418 = arith.index_cast %add3A_417 : i32 to index
        %get3A_419 = tpu.vector_load %arg4[%get3A_418] {strides = array<i32>} : memref<16000xf32, #tpu.memory_space<vmem>>, vector<16xf32>,
        %get3A_420 = vector.shape_cast %get3A_419 : vector<16xf32> to vector<16xf32>
        %add3A_421 = arith.addf %add3A_341, %get3A_420 : vector<16xf32>
        %mul3A_422 = arith.mulf %get3A_420, %get3A_420 : vector<16xf32>
        %add3A_423 = arith.addf %add3A_343, %mul3A_422 : vector<16xf32>
        %add3A_424 = arith.constant 384 : i32
        %add3A_425 = arith.addi %mul3A_184, %add3A_424 : i32
        %add3A_426 = arith.constant 0 : i32
        %add3A_427 = arith.addi %add3A_425, %add3A_426 : i32
        %get3A_428 = arith.index_cast %add3A_427 : i32 to index
        %get3A_429 = tpu.vector_load %arg4[%get3A_428] {strides = array<i32>} : memref<16000xf32, #tpu.memory_space<vmem>>, vector<16xf32>,
        %get3A_430 = vector.shape_cast %get3A_429 : vector<16xf32> to vector<16xf32>
        %add3A_431 = arith.addf %add3A_351, %get3A_430 : vector<16xf32>
        %mul3A_432 = arith.mulf %get3A_430, %get3A_430 : vector<16xf32>
        %add3A_433 = arith.addf %add3A_353, %mul3A_432 : vector<16xf32>
        %add3A_434 = arith.constant 384 : i32
        %add3A_435 = arith.addi %mul3A_184, %add3A_434 : i32
        %add3A_436 = arith.constant 16 : i32
        %add3A_437 = arith.addi %add3A_435, %add3A_436 : i32
        %get3A_438 = arith.index_cast %add3A_437 : i32 to index
        %get3A_439 = tpu.vector_load %arg4[%get3A_438] {strides = array<i32>} : memref<16000xf32, #tpu.memory_space<vmem>>, vector<16xf32>,
        %get3A_440 = vector.shape_cast %get3A_439 : vector<16xf32> to vector<16xf32>
        %add3A_441 = arith.addf %add3A_361, %get3A_440 : vector<16xf32>
        %mul3A_442 = arith.mulf %get3A_440, %get3A_440 : vector<16xf32>
        %add3A_443 = arith.addf %add3A_363, %mul3A_442 : vector<16xf32>
        %add3A_444 = arith.constant 384 : i32
        %add3A_445 = arith.addi %mul3A_184, %add3A_444 : i32
        %add3A_446 = arith.constant 32 : i32
        %add3A_447 = arith.addi %add3A_445, %add3A_446 : i32
        %get3A_448 = arith.index_cast %add3A_447 : i32 to index
        %get3A_449 = tpu.vector_load %arg4[%get3A_448] {strides = array<i32>} : memref<16000xf32, #tpu.memory_space<vmem>>, vector<16xf32>,
        %get3A_450 = vector.shape_cast %get3A_449 : vector<16xf32> to vector<16xf32>
        %add3A_451 = arith.addf %add3A_371, %get3A_450 : vector<16xf32>
        %mul3A_452 = arith.mulf %get3A_450, %get3A_450 : vector<16xf32>
        %add3A_453 = arith.addf %add3A_373, %mul3A_452 : vector<16xf32>
        %add3A_454 = arith.constant 384 : i32
        %add3A_455 = arith.addi %mul3A_184, %add3A_454 : i32
        %add3A_456 = arith.constant 48 : i32
        %add3A_457 = arith.addi %add3A_455, %add3A_456 : i32
        %get3A_458 = arith.index_cast %add3A_457 : i32 to index
        %get3A_459 = tpu.vector_load %arg4[%get3A_458] {strides = array<i32>} : memref<16000xf32, #tpu.memory_space<vmem>>, vector<16xf32>,
        %get3A_460 = vector.shape_cast %get3A_459 : vector<16xf32> to vector<16xf32>
        %add3A_461 = arith.addf %add3A_381, %get3A_460 : vector<16xf32>
        %mul3A_462 = arith.mulf %get3A_460, %get3A_460 : vector<16xf32>
        %add3A_463 = arith.addf %add3A_383, %mul3A_462 : vector<16xf32>
        %add3A_464 = arith.constant 384 : i32
        %add3A_465 = arith.addi %mul3A_184, %add3A_464 : i32
        %add3A_466 = arith.constant 64 : i32
        %add3A_467 = arith.addi %add3A_465, %add3A_466 : i32
        %get3A_468 = arith.index_cast %add3A_467 : i32 to index
        %get3A_469 = tpu.vector_load %arg4[%get3A_468] {strides = array<i32>} : memref<16000xf32, #tpu.memory_space<vmem>>, vector<16xf32>,
        %get3A_470 = vector.shape_cast %get3A_469 : vector<16xf32> to vector<16xf32>
        %add3A_471 = arith.addf %add3A_391, %get3A_470 : vector<16xf32>
        %mul3A_472 = arith.mulf %get3A_470, %get3A_470 : vector<16xf32>
        %add3A_473 = arith.addf %add3A_393, %mul3A_472 : vector<16xf32>
        %add3A_474 = arith.constant 384 : i32
        %add3A_475 = arith.addi %mul3A_184, %add3A_474 : i32
        %add3A_476 = arith.constant 80 : i32
        %add3A_477 = arith.addi %add3A_475, %add3A_476 : i32
        %get3A_478 = arith.index_cast %add3A_477 : i32 to index
        %get3A_479 = tpu.vector_load %arg4[%get3A_478] {strides = array<i32>} : memref<16000xf32, #tpu.memory_space<vmem>>, vector<16xf32>,
        %get3A_480 = vector.shape_cast %get3A_479 : vector<16xf32> to vector<16xf32>
        %add3A_481 = arith.addf %add3A_401, %get3A_480 : vector<16xf32>
        %mul3A_482 = arith.mulf %get3A_480, %get3A_480 : vector<16xf32>
        %add3A_483 = arith.addf %add3A_403, %mul3A_482 : vector<16xf32>
        %add3A_484 = arith.constant 384 : i32
        %add3A_485 = arith.addi %mul3A_184, %add3A_484 : i32
        %add3A_486 = arith.constant 96 : i32
        %add3A_487 = arith.addi %add3A_485, %add3A_486 : i32
        %get3A_488 = arith.index_cast %add3A_487 : i32 to index
        %get3A_489 = tpu.vector_load %arg4[%get3A_488] {strides = array<i32>} : memref<16000xf32, #tpu.memory_space<vmem>>, vector<16xf32>,
        %get3A_490 = vector.shape_cast %get3A_489 : vector<16xf32> to vector<16xf32>
        %add3A_491 = arith.addf %add3A_411, %get3A_490 : vector<16xf32>
        %mul3A_492 = arith.mulf %get3A_490, %get3A_490 : vector<16xf32>
        %add3A_493 = arith.addf %add3A_413, %mul3A_492 : vector<16xf32>
        %add3A_494 = arith.constant 384 : i32
        %add3A_495 = arith.addi %mul3A_184, %add3A_494 : i32
        %add3A_496 = arith.constant 112 : i32
        %add3A_497 = arith.addi %add3A_495, %add3A_496 : i32
        %get3A_498 = arith.index_cast %add3A_497 : i32 to index
        %get3A_499 = tpu.vector_load %arg4[%get3A_498] {strides = array<i32>} : memref<16000xf32, #tpu.memory_space<vmem>>, vector<16xf32>,
        %get3A_500 = vector.shape_cast %get3A_499 : vector<16xf32> to vector<16xf32>
        %add3A_501 = arith.addf %add3A_421, %get3A_500 : vector<16xf32>
        %mul3A_502 = arith.mulf %get3A_500, %get3A_500 : vector<16xf32>
        %add3A_503 = arith.addf %add3A_423, %mul3A_502 : vector<16xf32>
        %add3A_504 = arith.constant 512 : i32
        %add3A_505 = arith.addi %mul3A_184, %add3A_504 : i32
        %add3A_506 = arith.constant 0 : i32
        %add3A_507 = arith.addi %add3A_505, %add3A_506 : i32
        %get3A_508 = arith.index_cast %add3A_507 : i32 to index
        %get3A_509 = tpu.vector_load %arg4[%get3A_508] {strides = array<i32>} : memref<16000xf32, #tpu.memory_space<vmem>>, vector<16xf32>,
        %get3A_510 = vector.shape_cast %get3A_509 : vector<16xf32> to vector<16xf32>
        %add3A_511 = arith.addf %add3A_431, %get3A_510 : vector<16xf32>
        %mul3A_512 = arith.mulf %get3A_510, %get3A_510 : vector<16xf32>
        %add3A_513 = arith.addf %add3A_433, %mul3A_512 : vector<16xf32>
        %add3A_514 = arith.constant 512 : i32
        %add3A_515 = arith.addi %mul3A_184, %add3A_514 : i32
        %add3A_516 = arith.constant 16 : i32
        %add3A_517 = arith.addi %add3A_515, %add3A_516 : i32
        %get3A_518 = arith.index_cast %add3A_517 : i32 to index
        %get3A_519 = tpu.vector_load %arg4[%get3A_518] {strides = array<i32>} : memref<16000xf32, #tpu.memory_space<vmem>>, vector<16xf32>,
        %get3A_520 = vector.shape_cast %get3A_519 : vector<16xf32> to vector<16xf32>
        %add3A_521 = arith.addf %add3A_441, %get3A_520 : vector<16xf32>
        %mul3A_522 = arith.mulf %get3A_520, %get3A_520 : vector<16xf32>
        %add3A_523 = arith.addf %add3A_443, %mul3A_522 : vector<16xf32>
        %add3A_524 = arith.constant 512 : i32
        %add3A_525 = arith.addi %mul3A_184, %add3A_524 : i32
        %add3A_526 = arith.constant 32 : i32
        %add3A_527 = arith.addi %add3A_525, %add3A_526 : i32
        %get3A_528 = arith.index_cast %add3A_527 : i32 to index
        %get3A_529 = tpu.vector_load %arg4[%get3A_528] {strides = array<i32>} : memref<16000xf32, #tpu.memory_space<vmem>>, vector<16xf32>,
        %get3A_530 = vector.shape_cast %get3A_529 : vector<16xf32> to vector<16xf32>
        %add3A_531 = arith.addf %add3A_451, %get3A_530 : vector<16xf32>
        %mul3A_532 = arith.mulf %get3A_530, %get3A_530 : vector<16xf32>
        %add3A_533 = arith.addf %add3A_453, %mul3A_532 : vector<16xf32>
        %add3A_534 = arith.constant 512 : i32
        %add3A_535 = arith.addi %mul3A_184, %add3A_534 : i32
        %add3A_536 = arith.constant 48 : i32
        %add3A_537 = arith.addi %add3A_535, %add3A_536 : i32
        %get3A_538 = arith.index_cast %add3A_537 : i32 to index
        %get3A_539 = tpu.vector_load %arg4[%get3A_538] {strides = array<i32>} : memref<16000xf32, #tpu.memory_space<vmem>>, vector<16xf32>,
        %get3A_540 = vector.shape_cast %get3A_539 : vector<16xf32> to vector<16xf32>
        %add3A_541 = arith.addf %add3A_461, %get3A_540 : vector<16xf32>
        %mul3A_542 = arith.mulf %get3A_540, %get3A_540 : vector<16xf32>
        %add3A_543 = arith.addf %add3A_463, %mul3A_542 : vector<16xf32>
        %add3A_544 = arith.constant 512 : i32
        %add3A_545 = arith.addi %mul3A_184, %add3A_544 : i32
        %add3A_546 = arith.constant 64 : i32
        %add3A_547 = arith.addi %add3A_545, %add3A_546 : i32
        %get3A_548 = arith.index_cast %add3A_547 : i32 to index
        %get3A_549 = tpu.vector_load %arg4[%get3A_548] {strides = array<i32>} : memref<16000xf32, #tpu.memory_space<vmem>>, vector<16xf32>,
        %get3A_550 = vector.shape_cast %get3A_549 : vector<16xf32> to vector<16xf32>
        %add3A_551 = arith.addf %add3A_471, %get3A_550 : vector<16xf32>
        %mul3A_552 = arith.mulf %get3A_550, %get3A_550 : vector<16xf32>
        %add3A_553 = arith.addf %add3A_473, %mul3A_552 : vector<16xf32>
        %add3A_554 = arith.constant 512 : i32
        %add3A_555 = arith.addi %mul3A_184, %add3A_554 : i32
        %add3A_556 = arith.constant 80 : i32
        %add3A_557 = arith.addi %add3A_555, %add3A_556 : i32
        %get3A_558 = arith.index_cast %add3A_557 : i32 to index
        %get3A_559 = tpu.vector_load %arg4[%get3A_558] {strides = array<i32>} : memref<16000xf32, #tpu.memory_space<vmem>>, vector<16xf32>,
        %get3A_560 = vector.shape_cast %get3A_559 : vector<16xf32> to vector<16xf32>
        %add3A_561 = arith.addf %add3A_481, %get3A_560 : vector<16xf32>
        %mul3A_562 = arith.mulf %get3A_560, %get3A_560 : vector<16xf32>
        %add3A_563 = arith.addf %add3A_483, %mul3A_562 : vector<16xf32>
        %add3A_564 = arith.constant 512 : i32
        %add3A_565 = arith.addi %mul3A_184, %add3A_564 : i32
        %add3A_566 = arith.constant 96 : i32
        %add3A_567 = arith.addi %add3A_565, %add3A_566 : i32
        %get3A_568 = arith.index_cast %add3A_567 : i32 to index
        %get3A_569 = tpu.vector_load %arg4[%get3A_568] {strides = array<i32>} : memref<16000xf32, #tpu.memory_space<vmem>>, vector<16xf32>,
        %get3A_570 = vector.shape_cast %get3A_569 : vector<16xf32> to vector<16xf32>
        %add3A_571 = arith.addf %add3A_491, %get3A_570 : vector<16xf32>
        %mul3A_572 = arith.mulf %get3A_570, %get3A_570 : vector<16xf32>
        %add3A_573 = arith.addf %add3A_493, %mul3A_572 : vector<16xf32>
        %add3A_574 = arith.constant 512 : i32
        %add3A_575 = arith.addi %mul3A_184, %add3A_574 : i32
        %add3A_576 = arith.constant 112 : i32
        %add3A_577 = arith.addi %add3A_575, %add3A_576 : i32
        %get3A_578 = arith.index_cast %add3A_577 : i32 to index
        %get3A_579 = tpu.vector_load %arg4[%get3A_578] {strides = array<i32>} : memref<16000xf32, #tpu.memory_space<vmem>>, vector<16xf32>,
        %get3A_580 = vector.shape_cast %get3A_579 : vector<16xf32> to vector<16xf32>
        %add3A_581 = arith.addf %add3A_501, %get3A_580 : vector<16xf32>
        %mul3A_582 = arith.mulf %get3A_580, %get3A_580 : vector<16xf32>
        %add3A_583 = arith.addf %add3A_503, %mul3A_582 : vector<16xf32>
        scf.yield %add3A_511, %add3A_521, %add3A_531, %add3A_541, %add3A_551, %add3A_561, %add3A_571, %add3A_581, %add3A_513, %add3A_523, %add3A_533, %add3A_543, %add3A_553, %add3A_563, %add3A_573, %add3A_583 : vector<16xf32>, vector<16xf32>, vector<16xf32>, vector<16xf32>, vector<16xf32>, vector<16xf32>, vector<16xf32>, vector<16xf32>, vector<16xf32>, vector<16xf32>, vector<16xf32>, vector<16xf32>, vector<16xf32>, vector<16xf32>, vector<16xf32>, vector<16xf32>
      }
      %scan3A_144 = arith.constant 25 : i32
      %add3A_145 = arith.constant 2 : i32
      %add3A_146 = arith.addi %mul3A_135, %add3A_145 : i32
      %lt3A = arith.constant 12 : i32
      %lt3A_147 = arith.cmpi slt, %add3A_146, %lt3A : i32
      %convert_element_type3A = arith.extui %lt3A_147 : i1 to i32
      %cond3A = arith.constant 0 : i32
      %cond3A_148 = arith.cmpi ne, %convert_element_type3A, %cond3A : i32
      scf.if %cond3A_148 {
        %add3A_166 = arith.constant 2 : i32
        %add3A_167 = arith.addi %mul3A_135, %add3A_166 : i32
        %mul3A_168 = arith.constant 16000 : i32
        %mul3A_169 = arith.muli %add3A_167, %mul3A_168 : i32
        %add3A_170 = arith.addi %mul3A_6, %mul3A_169 : i32
        %dma_start3A_171 = tpu.memref_slice %arg2[%add3A_170] : memref<12800000xf32, #tpu.memory_space<hbm>> -> memref<16000xf32, #tpu.memory_space<hbm>>
        %dma_start3A_172 = tpu.memref_slice %arg2[%add3A_170] : memref<12800000xf32, #tpu.memory_space<hbm>> -> memref<16000xf32, #tpu.memory_space<hbm>>
        tpu.enqueue_dma source(%dma_start3A_172 : memref<16000xf32, #tpu.memory_space<hbm>>) target(%arg4 : memref<16000xf32, #tpu.memory_space<vmem>>) target_semaphore(%arg7 : memref<!tpu.dma_semaphore, #tpu.memory_space<semaphore_mem>>)
      } else {
      }
      %dma_wait3A_149 = arith.constant 0 : i32
      %dma_wait3A_150 = tpu.memref_slice %arg2[%dma_wait3A_149] : memref<12800000xf32, #tpu.memory_space<hbm>> -> memref<16000xf32, #tpu.memory_space<hbm>>
      %dma_wait3A_151 = arith.constant 0 : i32
      %dma_wait3A_152 = tpu.memref_slice %arg2[%dma_wait3A_151] : memref<12800000xf32, #tpu.memory_space<hbm>> -> memref<16000xf32, #tpu.memory_space<hbm>>
      tpu.wait_dma2 semaphore(%arg8 : memref<!tpu.dma_semaphore, #tpu.memory_space<semaphore_mem>>) src(%dma_wait3A_152 : memref<16000xf32, #tpu.memory_space<hbm>>) dst(%arg5 : memref<16000xf32, #tpu.memory_space<vmem>>)
      %scan3A_153 = arith.constant 0 : i32
      %scan3A_154 = arith.constant 25 : i32
      %scan3A_155 = arith.addi %scan3A_153, %scan3A_154 : i32
      %scan3A_156 = arith.constant 1 : i32
      %scan3A_157:16 = scf.for %scan3A_166 = %scan3A_153 to %scan3A_155 step %scan3A_156 iter_args(%scan3A_167 = %scan3A_143#0, %scan3A_168 = %scan3A_143#1, %scan3A_169 = %scan3A_143#2, %scan3A_170 = %scan3A_143#3, %scan3A_171 = %scan3A_143#4, %scan3A_172 = %scan3A_143#5, %scan3A_173 = %scan3A_143#6, %scan3A_174 = %scan3A_143#7, %scan3A_175 = %scan3A_143#8, %scan3A_176 = %scan3A_143#9, %scan3A_177 = %scan3A_143#10, %scan3A_178 = %scan3A_143#11, %scan3A_179 = %scan3A_143#12, %scan3A_180 = %scan3A_143#13, %scan3A_181 = %scan3A_143#14, %scan3A_182 = %scan3A_143#15) -> (vector<16xf32>, vector<16xf32>, vector<16xf32>, vector<16xf32>, vector<16xf32>, vector<16xf32>, vector<16xf32>, vector<16xf32>, vector<16xf32>, vector<16xf32>, vector<16xf32>, vector<16xf32>, vector<16xf32>, vector<16xf32>, vector<16xf32>, vector<16xf32>)  : i32 {
        %mul3A_183 = arith.constant 640 : i32
        %mul3A_184 = arith.muli %scan3A_166, %mul3A_183 : i32
        %add3A_185 = arith.constant 0 : i32
        %add3A_186 = arith.addi %mul3A_184, %add3A_185 : i32
        %add3A_187 = arith.constant 0 : i32
        %add3A_188 = arith.addi %add3A_186, %add3A_187 : i32
        %get3A = arith.index_cast %add3A_188 : i32 to index
        %get3A_189 = tpu.vector_load %arg5[%get3A] {strides = array<i32>} : memref<16000xf32, #tpu.memory_space<vmem>>, vector<16xf32>,
        %get3A_190 = vector.shape_cast %get3A_189 : vector<16xf32> to vector<16xf32>
        %add3A_191 = arith.addf %scan3A_167, %get3A_190 : vector<16xf32>
        %mul3A_192 = arith.mulf %get3A_190, %get3A_190 : vector<16xf32>
        %add3A_193 = arith.addf %scan3A_175, %mul3A_192 : vector<16xf32>
        %add3A_194 = arith.constant 0 : i32
        %add3A_195 = arith.addi %mul3A_184, %add3A_194 : i32
        %add3A_196 = arith.constant 16 : i32
        %add3A_197 = arith.addi %add3A_195, %add3A_196 : i32
        %get3A_198 = arith.index_cast %add3A_197 : i32 to index
        %get3A_199 = tpu.vector_load %arg5[%get3A_198] {strides = array<i32>} : memref<16000xf32, #tpu.memory_space<vmem>>, vector<16xf32>,
        %get3A_200 = vector.shape_cast %get3A_199 : vector<16xf32> to vector<16xf32>
        %add3A_201 = arith.addf %scan3A_168, %get3A_200 : vector<16xf32>
        %mul3A_202 = arith.mulf %get3A_200, %get3A_200 : vector<16xf32>
        %add3A_203 = arith.addf %scan3A_176, %mul3A_202 : vector<16xf32>
        %add3A_204 = arith.constant 0 : i32
        %add3A_205 = arith.addi %mul3A_184, %add3A_204 : i32
        %add3A_206 = arith.constant 32 : i32
        %add3A_207 = arith.addi %add3A_205, %add3A_206 : i32
        %get3A_208 = arith.index_cast %add3A_207 : i32 to index
        %get3A_209 = tpu.vector_load %arg5[%get3A_208] {strides = array<i32>} : memref<16000xf32, #tpu.memory_space<vmem>>, vector<16xf32>,
        %get3A_210 = vector.shape_cast %get3A_209 : vector<16xf32> to vector<16xf32>
        %add3A_211 = arith.addf %scan3A_169, %get3A_210 : vector<16xf32>
        %mul3A_212 = arith.mulf %get3A_210, %get3A_210 : vector<16xf32>
        %add3A_213 = arith.addf %scan3A_177, %mul3A_212 : vector<16xf32>
        %add3A_214 = arith.constant 0 : i32
        %add3A_215 = arith.addi %mul3A_184, %add3A_214 : i32
        %add3A_216 = arith.constant 48 : i32
        %add3A_217 = arith.addi %add3A_215, %add3A_216 : i32
        %get3A_218 = arith.index_cast %add3A_217 : i32 to index
        %get3A_219 = tpu.vector_load %arg5[%get3A_218] {strides = array<i32>} : memref<16000xf32, #tpu.memory_space<vmem>>, vector<16xf32>,
        %get3A_220 = vector.shape_cast %get3A_219 : vector<16xf32> to vector<16xf32>
        %add3A_221 = arith.addf %scan3A_170, %get3A_220 : vector<16xf32>
        %mul3A_222 = arith.mulf %get3A_220, %get3A_220 : vector<16xf32>
        %add3A_223 = arith.addf %scan3A_178, %mul3A_222 : vector<16xf32>
        %add3A_224 = arith.constant 0 : i32
        %add3A_225 = arith.addi %mul3A_184, %add3A_224 : i32
        %add3A_226 = arith.constant 64 : i32
        %add3A_227 = arith.addi %add3A_225, %add3A_226 : i32
        %get3A_228 = arith.index_cast %add3A_227 : i32 to index
        %get3A_229 = tpu.vector_load %arg5[%get3A_228] {strides = array<i32>} : memref<16000xf32, #tpu.memory_space<vmem>>, vector<16xf32>,
        %get3A_230 = vector.shape_cast %get3A_229 : vector<16xf32> to vector<16xf32>
        %add3A_231 = arith.addf %scan3A_171, %get3A_230 : vector<16xf32>
        %mul3A_232 = arith.mulf %get3A_230, %get3A_230 : vector<16xf32>
        %add3A_233 = arith.addf %scan3A_179, %mul3A_232 : vector<16xf32>
        %add3A_234 = arith.constant 0 : i32
        %add3A_235 = arith.addi %mul3A_184, %add3A_234 : i32
        %add3A_236 = arith.constant 80 : i32
        %add3A_237 = arith.addi %add3A_235, %add3A_236 : i32
        %get3A_238 = arith.index_cast %add3A_237 : i32 to index
        %get3A_239 = tpu.vector_load %arg5[%get3A_238] {strides = array<i32>} : memref<16000xf32, #tpu.memory_space<vmem>>, vector<16xf32>,
        %get3A_240 = vector.shape_cast %get3A_239 : vector<16xf32> to vector<16xf32>
        %add3A_241 = arith.addf %scan3A_172, %get3A_240 : vector<16xf32>
        %mul3A_242 = arith.mulf %get3A_240, %get3A_240 : vector<16xf32>
        %add3A_243 = arith.addf %scan3A_180, %mul3A_242 : vector<16xf32>
        %add3A_244 = arith.constant 0 : i32
        %add3A_245 = arith.addi %mul3A_184, %add3A_244 : i32
        %add3A_246 = arith.constant 96 : i32
        %add3A_247 = arith.addi %add3A_245, %add3A_246 : i32
        %get3A_248 = arith.index_cast %add3A_247 : i32 to index
        %get3A_249 = tpu.vector_load %arg5[%get3A_248] {strides = array<i32>} : memref<16000xf32, #tpu.memory_space<vmem>>, vector<16xf32>,
        %get3A_250 = vector.shape_cast %get3A_249 : vector<16xf32> to vector<16xf32>
        %add3A_251 = arith.addf %scan3A_173, %get3A_250 : vector<16xf32>
        %mul3A_252 = arith.mulf %get3A_250, %get3A_250 : vector<16xf32>
        %add3A_253 = arith.addf %scan3A_181, %mul3A_252 : vector<16xf32>
        %add3A_254 = arith.constant 0 : i32
        %add3A_255 = arith.addi %mul3A_184, %add3A_254 : i32
        %add3A_256 = arith.constant 112 : i32
        %add3A_257 = arith.addi %add3A_255, %add3A_256 : i32
        %get3A_258 = arith.index_cast %add3A_257 : i32 to index
        %get3A_259 = tpu.vector_load %arg5[%get3A_258] {strides = array<i32>} : memref<16000xf32, #tpu.memory_space<vmem>>, vector<16xf32>,
        %get3A_260 = vector.shape_cast %get3A_259 : vector<16xf32> to vector<16xf32>
        %add3A_261 = arith.addf %scan3A_174, %get3A_260 : vector<16xf32>
        %mul3A_262 = arith.mulf %get3A_260, %get3A_260 : vector<16xf32>
        %add3A_263 = arith.addf %scan3A_182, %mul3A_262 : vector<16xf32>
        %add3A_264 = arith.constant 128 : i32
        %add3A_265 = arith.addi %mul3A_184, %add3A_264 : i32
        %add3A_266 = arith.constant 0 : i32
        %add3A_267 = arith.addi %add3A_265, %add3A_266 : i32
        %get3A_268 = arith.index_cast %add3A_267 : i32 to index
        %get3A_269 = tpu.vector_load %arg5[%get3A_268] {strides = array<i32>} : memref<16000xf32, #tpu.memory_space<vmem>>, vector<16xf32>,
        %get3A_270 = vector.shape_cast %get3A_269 : vector<16xf32> to vector<16xf32>
        %add3A_271 = arith.addf %add3A_191, %get3A_270 : vector<16xf32>
        %mul3A_272 = arith.mulf %get3A_270, %get3A_270 : vector<16xf32>
        %add3A_273 = arith.addf %add3A_193, %mul3A_272 : vector<16xf32>
        %add3A_274 = arith.constant 128 : i32
        %add3A_275 = arith.addi %mul3A_184, %add3A_274 : i32
        %add3A_276 = arith.constant 16 : i32
        %add3A_277 = arith.addi %add3A_275, %add3A_276 : i32
        %get3A_278 = arith.index_cast %add3A_277 : i32 to index
        %get3A_279 = tpu.vector_load %arg5[%get3A_278] {strides = array<i32>} : memref<16000xf32, #tpu.memory_space<vmem>>, vector<16xf32>,
        %get3A_280 = vector.shape_cast %get3A_279 : vector<16xf32> to vector<16xf32>
        %add3A_281 = arith.addf %add3A_201, %get3A_280 : vector<16xf32>
        %mul3A_282 = arith.mulf %get3A_280, %get3A_280 : vector<16xf32>
        %add3A_283 = arith.addf %add3A_203, %mul3A_282 : vector<16xf32>
        %add3A_284 = arith.constant 128 : i32
        %add3A_285 = arith.addi %mul3A_184, %add3A_284 : i32
        %add3A_286 = arith.constant 32 : i32
        %add3A_287 = arith.addi %add3A_285, %add3A_286 : i32
        %get3A_288 = arith.index_cast %add3A_287 : i32 to index
        %get3A_289 = tpu.vector_load %arg5[%get3A_288] {strides = array<i32>} : memref<16000xf32, #tpu.memory_space<vmem>>, vector<16xf32>,
        %get3A_290 = vector.shape_cast %get3A_289 : vector<16xf32> to vector<16xf32>
        %add3A_291 = arith.addf %add3A_211, %get3A_290 : vector<16xf32>
        %mul3A_292 = arith.mulf %get3A_290, %get3A_290 : vector<16xf32>
        %add3A_293 = arith.addf %add3A_213, %mul3A_292 : vector<16xf32>
        %add3A_294 = arith.constant 128 : i32
        %add3A_295 = arith.addi %mul3A_184, %add3A_294 : i32
        %add3A_296 = arith.constant 48 : i32
        %add3A_297 = arith.addi %add3A_295, %add3A_296 : i32
        %get3A_298 = arith.index_cast %add3A_297 : i32 to index
        %get3A_299 = tpu.vector_load %arg5[%get3A_298] {strides = array<i32>} : memref<16000xf32, #tpu.memory_space<vmem>>, vector<16xf32>,
        %get3A_300 = vector.shape_cast %get3A_299 : vector<16xf32> to vector<16xf32>
        %add3A_301 = arith.addf %add3A_221, %get3A_300 : vector<16xf32>
        %mul3A_302 = arith.mulf %get3A_300, %get3A_300 : vector<16xf32>
        %add3A_303 = arith.addf %add3A_223, %mul3A_302 : vector<16xf32>
        %add3A_304 = arith.constant 128 : i32
        %add3A_305 = arith.addi %mul3A_184, %add3A_304 : i32
        %add3A_306 = arith.constant 64 : i32
        %add3A_307 = arith.addi %add3A_305, %add3A_306 : i32
        %get3A_308 = arith.index_cast %add3A_307 : i32 to index
        %get3A_309 = tpu.vector_load %arg5[%get3A_308] {strides = array<i32>} : memref<16000xf32, #tpu.memory_space<vmem>>, vector<16xf32>,
        %get3A_310 = vector.shape_cast %get3A_309 : vector<16xf32> to vector<16xf32>
        %add3A_311 = arith.addf %add3A_231, %get3A_310 : vector<16xf32>
        %mul3A_312 = arith.mulf %get3A_310, %get3A_310 : vector<16xf32>
        %add3A_313 = arith.addf %add3A_233, %mul3A_312 : vector<16xf32>
        %add3A_314 = arith.constant 128 : i32
        %add3A_315 = arith.addi %mul3A_184, %add3A_314 : i32
        %add3A_316 = arith.constant 80 : i32
        %add3A_317 = arith.addi %add3A_315, %add3A_316 : i32
        %get3A_318 = arith.index_cast %add3A_317 : i32 to index
        %get3A_319 = tpu.vector_load %arg5[%get3A_318] {strides = array<i32>} : memref<16000xf32, #tpu.memory_space<vmem>>, vector<16xf32>,
        %get3A_320 = vector.shape_cast %get3A_319 : vector<16xf32> to vector<16xf32>
        %add3A_321 = arith.addf %add3A_241, %get3A_320 : vector<16xf32>
        %mul3A_322 = arith.mulf %get3A_320, %get3A_320 : vector<16xf32>
        %add3A_323 = arith.addf %add3A_243, %mul3A_322 : vector<16xf32>
        %add3A_324 = arith.constant 128 : i32
        %add3A_325 = arith.addi %mul3A_184, %add3A_324 : i32
        %add3A_326 = arith.constant 96 : i32
        %add3A_327 = arith.addi %add3A_325, %add3A_326 : i32
        %get3A_328 = arith.index_cast %add3A_327 : i32 to index
        %get3A_329 = tpu.vector_load %arg5[%get3A_328] {strides = array<i32>} : memref<16000xf32, #tpu.memory_space<vmem>>, vector<16xf32>,
        %get3A_330 = vector.shape_cast %get3A_329 : vector<16xf32> to vector<16xf32>
        %add3A_331 = arith.addf %add3A_251, %get3A_330 : vector<16xf32>
        %mul3A_332 = arith.mulf %get3A_330, %get3A_330 : vector<16xf32>
        %add3A_333 = arith.addf %add3A_253, %mul3A_332 : vector<16xf32>
        %add3A_334 = arith.constant 128 : i32
        %add3A_335 = arith.addi %mul3A_184, %add3A_334 : i32
        %add3A_336 = arith.constant 112 : i32
        %add3A_337 = arith.addi %add3A_335, %add3A_336 : i32
        %get3A_338 = arith.index_cast %add3A_337 : i32 to index
        %get3A_339 = tpu.vector_load %arg5[%get3A_338] {strides = array<i32>} : memref<16000xf32, #tpu.memory_space<vmem>>, vector<16xf32>,
        %get3A_340 = vector.shape_cast %get3A_339 : vector<16xf32> to vector<16xf32>
        %add3A_341 = arith.addf %add3A_261, %get3A_340 : vector<16xf32>
        %mul3A_342 = arith.mulf %get3A_340, %get3A_340 : vector<16xf32>
        %add3A_343 = arith.addf %add3A_263, %mul3A_342 : vector<16xf32>
        %add3A_344 = arith.constant 256 : i32
        %add3A_345 = arith.addi %mul3A_184, %add3A_344 : i32
        %add3A_346 = arith.constant 0 : i32
        %add3A_347 = arith.addi %add3A_345, %add3A_346 : i32
        %get3A_348 = arith.index_cast %add3A_347 : i32 to index
        %get3A_349 = tpu.vector_load %arg5[%get3A_348] {strides = array<i32>} : memref<16000xf32, #tpu.memory_space<vmem>>, vector<16xf32>,
        %get3A_350 = vector.shape_cast %get3A_349 : vector<16xf32> to vector<16xf32>
        %add3A_351 = arith.addf %add3A_271, %get3A_350 : vector<16xf32>
        %mul3A_352 = arith.mulf %get3A_350, %get3A_350 : vector<16xf32>
        %add3A_353 = arith.addf %add3A_273, %mul3A_352 : vector<16xf32>
        %add3A_354 = arith.constant 256 : i32
        %add3A_355 = arith.addi %mul3A_184, %add3A_354 : i32
        %add3A_356 = arith.constant 16 : i32
        %add3A_357 = arith.addi %add3A_355, %add3A_356 : i32
        %get3A_358 = arith.index_cast %add3A_357 : i32 to index
        %get3A_359 = tpu.vector_load %arg5[%get3A_358] {strides = array<i32>} : memref<16000xf32, #tpu.memory_space<vmem>>, vector<16xf32>,
        %get3A_360 = vector.shape_cast %get3A_359 : vector<16xf32> to vector<16xf32>
        %add3A_361 = arith.addf %add3A_281, %get3A_360 : vector<16xf32>
        %mul3A_362 = arith.mulf %get3A_360, %get3A_360 : vector<16xf32>
        %add3A_363 = arith.addf %add3A_283, %mul3A_362 : vector<16xf32>
        %add3A_364 = arith.constant 256 : i32
        %add3A_365 = arith.addi %mul3A_184, %add3A_364 : i32
        %add3A_366 = arith.constant 32 : i32
        %add3A_367 = arith.addi %add3A_365, %add3A_366 : i32
        %get3A_368 = arith.index_cast %add3A_367 : i32 to index
        %get3A_369 = tpu.vector_load %arg5[%get3A_368] {strides = array<i32>} : memref<16000xf32, #tpu.memory_space<vmem>>, vector<16xf32>,
        %get3A_370 = vector.shape_cast %get3A_369 : vector<16xf32> to vector<16xf32>
        %add3A_371 = arith.addf %add3A_291, %get3A_370 : vector<16xf32>
        %mul3A_372 = arith.mulf %get3A_370, %get3A_370 : vector<16xf32>
        %add3A_373 = arith.addf %add3A_293, %mul3A_372 : vector<16xf32>
        %add3A_374 = arith.constant 256 : i32
        %add3A_375 = arith.addi %mul3A_184, %add3A_374 : i32
        %add3A_376 = arith.constant 48 : i32
        %add3A_377 = arith.addi %add3A_375, %add3A_376 : i32
        %get3A_378 = arith.index_cast %add3A_377 : i32 to index
        %get3A_379 = tpu.vector_load %arg5[%get3A_378] {strides = array<i32>} : memref<16000xf32, #tpu.memory_space<vmem>>, vector<16xf32>,
        %get3A_380 = vector.shape_cast %get3A_379 : vector<16xf32> to vector<16xf32>
        %add3A_381 = arith.addf %add3A_301, %get3A_380 : vector<16xf32>
        %mul3A_382 = arith.mulf %get3A_380, %get3A_380 : vector<16xf32>
        %add3A_383 = arith.addf %add3A_303, %mul3A_382 : vector<16xf32>
        %add3A_384 = arith.constant 256 : i32
        %add3A_385 = arith.addi %mul3A_184, %add3A_384 : i32
        %add3A_386 = arith.constant 64 : i32
        %add3A_387 = arith.addi %add3A_385, %add3A_386 : i32
        %get3A_388 = arith.index_cast %add3A_387 : i32 to index
        %get3A_389 = tpu.vector_load %arg5[%get3A_388] {strides = array<i32>} : memref<16000xf32, #tpu.memory_space<vmem>>, vector<16xf32>,
        %get3A_390 = vector.shape_cast %get3A_389 : vector<16xf32> to vector<16xf32>
        %add3A_391 = arith.addf %add3A_311, %get3A_390 : vector<16xf32>
        %mul3A_392 = arith.mulf %get3A_390, %get3A_390 : vector<16xf32>
        %add3A_393 = arith.addf %add3A_313, %mul3A_392 : vector<16xf32>
        %add3A_394 = arith.constant 256 : i32
        %add3A_395 = arith.addi %mul3A_184, %add3A_394 : i32
        %add3A_396 = arith.constant 80 : i32
        %add3A_397 = arith.addi %add3A_395, %add3A_396 : i32
        %get3A_398 = arith.index_cast %add3A_397 : i32 to index
        %get3A_399 = tpu.vector_load %arg5[%get3A_398] {strides = array<i32>} : memref<16000xf32, #tpu.memory_space<vmem>>, vector<16xf32>,
        %get3A_400 = vector.shape_cast %get3A_399 : vector<16xf32> to vector<16xf32>
        %add3A_401 = arith.addf %add3A_321, %get3A_400 : vector<16xf32>
        %mul3A_402 = arith.mulf %get3A_400, %get3A_400 : vector<16xf32>
        %add3A_403 = arith.addf %add3A_323, %mul3A_402 : vector<16xf32>
        %add3A_404 = arith.constant 256 : i32
        %add3A_405 = arith.addi %mul3A_184, %add3A_404 : i32
        %add3A_406 = arith.constant 96 : i32
        %add3A_407 = arith.addi %add3A_405, %add3A_406 : i32
        %get3A_408 = arith.index_cast %add3A_407 : i32 to index
        %get3A_409 = tpu.vector_load %arg5[%get3A_408] {strides = array<i32>} : memref<16000xf32, #tpu.memory_space<vmem>>, vector<16xf32>,
        %get3A_410 = vector.shape_cast %get3A_409 : vector<16xf32> to vector<16xf32>
        %add3A_411 = arith.addf %add3A_331, %get3A_410 : vector<16xf32>
        %mul3A_412 = arith.mulf %get3A_410, %get3A_410 : vector<16xf32>
        %add3A_413 = arith.addf %add3A_333, %mul3A_412 : vector<16xf32>
        %add3A_414 = arith.constant 256 : i32
        %add3A_415 = arith.addi %mul3A_184, %add3A_414 : i32
        %add3A_416 = arith.constant 112 : i32
        %add3A_417 = arith.addi %add3A_415, %add3A_416 : i32
        %get3A_418 = arith.index_cast %add3A_417 : i32 to index
        %get3A_419 = tpu.vector_load %arg5[%get3A_418] {strides = array<i32>} : memref<16000xf32, #tpu.memory_space<vmem>>, vector<16xf32>,
        %get3A_420 = vector.shape_cast %get3A_419 : vector<16xf32> to vector<16xf32>
        %add3A_421 = arith.addf %add3A_341, %get3A_420 : vector<16xf32>
        %mul3A_422 = arith.mulf %get3A_420, %get3A_420 : vector<16xf32>
        %add3A_423 = arith.addf %add3A_343, %mul3A_422 : vector<16xf32>
        %add3A_424 = arith.constant 384 : i32
        %add3A_425 = arith.addi %mul3A_184, %add3A_424 : i32
        %add3A_426 = arith.constant 0 : i32
        %add3A_427 = arith.addi %add3A_425, %add3A_426 : i32
        %get3A_428 = arith.index_cast %add3A_427 : i32 to index
        %get3A_429 = tpu.vector_load %arg5[%get3A_428] {strides = array<i32>} : memref<16000xf32, #tpu.memory_space<vmem>>, vector<16xf32>,
        %get3A_430 = vector.shape_cast %get3A_429 : vector<16xf32> to vector<16xf32>
        %add3A_431 = arith.addf %add3A_351, %get3A_430 : vector<16xf32>
        %mul3A_432 = arith.mulf %get3A_430, %get3A_430 : vector<16xf32>
        %add3A_433 = arith.addf %add3A_353, %mul3A_432 : vector<16xf32>
        %add3A_434 = arith.constant 384 : i32
        %add3A_435 = arith.addi %mul3A_184, %add3A_434 : i32
        %add3A_436 = arith.constant 16 : i32
        %add3A_437 = arith.addi %add3A_435, %add3A_436 : i32
        %get3A_438 = arith.index_cast %add3A_437 : i32 to index
        %get3A_439 = tpu.vector_load %arg5[%get3A_438] {strides = array<i32>} : memref<16000xf32, #tpu.memory_space<vmem>>, vector<16xf32>,
        %get3A_440 = vector.shape_cast %get3A_439 : vector<16xf32> to vector<16xf32>
        %add3A_441 = arith.addf %add3A_361, %get3A_440 : vector<16xf32>
        %mul3A_442 = arith.mulf %get3A_440, %get3A_440 : vector<16xf32>
        %add3A_443 = arith.addf %add3A_363, %mul3A_442 : vector<16xf32>
        %add3A_444 = arith.constant 384 : i32
        %add3A_445 = arith.addi %mul3A_184, %add3A_444 : i32
        %add3A_446 = arith.constant 32 : i32
        %add3A_447 = arith.addi %add3A_445, %add3A_446 : i32
        %get3A_448 = arith.index_cast %add3A_447 : i32 to index
        %get3A_449 = tpu.vector_load %arg5[%get3A_448] {strides = array<i32>} : memref<16000xf32, #tpu.memory_space<vmem>>, vector<16xf32>,
        %get3A_450 = vector.shape_cast %get3A_449 : vector<16xf32> to vector<16xf32>
        %add3A_451 = arith.addf %add3A_371, %get3A_450 : vector<16xf32>
        %mul3A_452 = arith.mulf %get3A_450, %get3A_450 : vector<16xf32>
        %add3A_453 = arith.addf %add3A_373, %mul3A_452 : vector<16xf32>
        %add3A_454 = arith.constant 384 : i32
        %add3A_455 = arith.addi %mul3A_184, %add3A_454 : i32
        %add3A_456 = arith.constant 48 : i32
        %add3A_457 = arith.addi %add3A_455, %add3A_456 : i32
        %get3A_458 = arith.index_cast %add3A_457 : i32 to index
        %get3A_459 = tpu.vector_load %arg5[%get3A_458] {strides = array<i32>} : memref<16000xf32, #tpu.memory_space<vmem>>, vector<16xf32>,
        %get3A_460 = vector.shape_cast %get3A_459 : vector<16xf32> to vector<16xf32>
        %add3A_461 = arith.addf %add3A_381, %get3A_460 : vector<16xf32>
        %mul3A_462 = arith.mulf %get3A_460, %get3A_460 : vector<16xf32>
        %add3A_463 = arith.addf %add3A_383, %mul3A_462 : vector<16xf32>
        %add3A_464 = arith.constant 384 : i32
        %add3A_465 = arith.addi %mul3A_184, %add3A_464 : i32
        %add3A_466 = arith.constant 64 : i32
        %add3A_467 = arith.addi %add3A_465, %add3A_466 : i32
        %get3A_468 = arith.index_cast %add3A_467 : i32 to index
        %get3A_469 = tpu.vector_load %arg5[%get3A_468] {strides = array<i32>} : memref<16000xf32, #tpu.memory_space<vmem>>, vector<16xf32>,
        %get3A_470 = vector.shape_cast %get3A_469 : vector<16xf32> to vector<16xf32>
        %add3A_471 = arith.addf %add3A_391, %get3A_470 : vector<16xf32>
        %mul3A_472 = arith.mulf %get3A_470, %get3A_470 : vector<16xf32>
        %add3A_473 = arith.addf %add3A_393, %mul3A_472 : vector<16xf32>
        %add3A_474 = arith.constant 384 : i32
        %add3A_475 = arith.addi %mul3A_184, %add3A_474 : i32
        %add3A_476 = arith.constant 80 : i32
        %add3A_477 = arith.addi %add3A_475, %add3A_476 : i32
        %get3A_478 = arith.index_cast %add3A_477 : i32 to index
        %get3A_479 = tpu.vector_load %arg5[%get3A_478] {strides = array<i32>} : memref<16000xf32, #tpu.memory_space<vmem>>, vector<16xf32>,
        %get3A_480 = vector.shape_cast %get3A_479 : vector<16xf32> to vector<16xf32>
        %add3A_481 = arith.addf %add3A_401, %get3A_480 : vector<16xf32>
        %mul3A_482 = arith.mulf %get3A_480, %get3A_480 : vector<16xf32>
        %add3A_483 = arith.addf %add3A_403, %mul3A_482 : vector<16xf32>
        %add3A_484 = arith.constant 384 : i32
        %add3A_485 = arith.addi %mul3A_184, %add3A_484 : i32
        %add3A_486 = arith.constant 96 : i32
        %add3A_487 = arith.addi %add3A_485, %add3A_486 : i32
        %get3A_488 = arith.index_cast %add3A_487 : i32 to index
        %get3A_489 = tpu.vector_load %arg5[%get3A_488] {strides = array<i32>} : memref<16000xf32, #tpu.memory_space<vmem>>, vector<16xf32>,
        %get3A_490 = vector.shape_cast %get3A_489 : vector<16xf32> to vector<16xf32>
        %add3A_491 = arith.addf %add3A_411, %get3A_490 : vector<16xf32>
        %mul3A_492 = arith.mulf %get3A_490, %get3A_490 : vector<16xf32>
        %add3A_493 = arith.addf %add3A_413, %mul3A_492 : vector<16xf32>
        %add3A_494 = arith.constant 384 : i32
        %add3A_495 = arith.addi %mul3A_184, %add3A_494 : i32
        %add3A_496 = arith.constant 112 : i32
        %add3A_497 = arith.addi %add3A_495, %add3A_496 : i32
        %get3A_498 = arith.index_cast %add3A_497 : i32 to index
        %get3A_499 = tpu.vector_load %arg5[%get3A_498] {strides = array<i32>} : memref<16000xf32, #tpu.memory_space<vmem>>, vector<16xf32>,
        %get3A_500 = vector.shape_cast %get3A_499 : vector<16xf32> to vector<16xf32>
        %add3A_501 = arith.addf %add3A_421, %get3A_500 : vector<16xf32>
        %mul3A_502 = arith.mulf %get3A_500, %get3A_500 : vector<16xf32>
        %add3A_503 = arith.addf %add3A_423, %mul3A_502 : vector<16xf32>
        %add3A_504 = arith.constant 512 : i32
        %add3A_505 = arith.addi %mul3A_184, %add3A_504 : i32
        %add3A_506 = arith.constant 0 : i32
        %add3A_507 = arith.addi %add3A_505, %add3A_506 : i32
        %get3A_508 = arith.index_cast %add3A_507 : i32 to index
        %get3A_509 = tpu.vector_load %arg5[%get3A_508] {strides = array<i32>} : memref<16000xf32, #tpu.memory_space<vmem>>, vector<16xf32>,
        %get3A_510 = vector.shape_cast %get3A_509 : vector<16xf32> to vector<16xf32>
        %add3A_511 = arith.addf %add3A_431, %get3A_510 : vector<16xf32>
        %mul3A_512 = arith.mulf %get3A_510, %get3A_510 : vector<16xf32>
        %add3A_513 = arith.addf %add3A_433, %mul3A_512 : vector<16xf32>
        %add3A_514 = arith.constant 512 : i32
        %add3A_515 = arith.addi %mul3A_184, %add3A_514 : i32
        %add3A_516 = arith.constant 16 : i32
        %add3A_517 = arith.addi %add3A_515, %add3A_516 : i32
        %get3A_518 = arith.index_cast %add3A_517 : i32 to index
        %get3A_519 = tpu.vector_load %arg5[%get3A_518] {strides = array<i32>} : memref<16000xf32, #tpu.memory_space<vmem>>, vector<16xf32>,
        %get3A_520 = vector.shape_cast %get3A_519 : vector<16xf32> to vector<16xf32>
        %add3A_521 = arith.addf %add3A_441, %get3A_520 : vector<16xf32>
        %mul3A_522 = arith.mulf %get3A_520, %get3A_520 : vector<16xf32>
        %add3A_523 = arith.addf %add3A_443, %mul3A_522 : vector<16xf32>
        %add3A_524 = arith.constant 512 : i32
        %add3A_525 = arith.addi %mul3A_184, %add3A_524 : i32
        %add3A_526 = arith.constant 32 : i32
        %add3A_527 = arith.addi %add3A_525, %add3A_526 : i32
        %get3A_528 = arith.index_cast %add3A_527 : i32 to index
        %get3A_529 = tpu.vector_load %arg5[%get3A_528] {strides = array<i32>} : memref<16000xf32, #tpu.memory_space<vmem>>, vector<16xf32>,
        %get3A_530 = vector.shape_cast %get3A_529 : vector<16xf32> to vector<16xf32>
        %add3A_531 = arith.addf %add3A_451, %get3A_530 : vector<16xf32>
        %mul3A_532 = arith.mulf %get3A_530, %get3A_530 : vector<16xf32>
        %add3A_533 = arith.addf %add3A_453, %mul3A_532 : vector<16xf32>
        %add3A_534 = arith.constant 512 : i32
        %add3A_535 = arith.addi %mul3A_184, %add3A_534 : i32
        %add3A_536 = arith.constant 48 : i32
        %add3A_537 = arith.addi %add3A_535, %add3A_536 : i32
        %get3A_538 = arith.index_cast %add3A_537 : i32 to index
        %get3A_539 = tpu.vector_load %arg5[%get3A_538] {strides = array<i32>} : memref<16000xf32, #tpu.memory_space<vmem>>, vector<16xf32>,
        %get3A_540 = vector.shape_cast %get3A_539 : vector<16xf32> to vector<16xf32>
        %add3A_541 = arith.addf %add3A_461, %get3A_540 : vector<16xf32>
        %mul3A_542 = arith.mulf %get3A_540, %get3A_540 : vector<16xf32>
        %add3A_543 = arith.addf %add3A_463, %mul3A_542 : vector<16xf32>
        %add3A_544 = arith.constant 512 : i32
        %add3A_545 = arith.addi %mul3A_184, %add3A_544 : i32
        %add3A_546 = arith.constant 64 : i32
        %add3A_547 = arith.addi %add3A_545, %add3A_546 : i32
        %get3A_548 = arith.index_cast %add3A_547 : i32 to index
        %get3A_549 = tpu.vector_load %arg5[%get3A_548] {strides = array<i32>} : memref<16000xf32, #tpu.memory_space<vmem>>, vector<16xf32>,
        %get3A_550 = vector.shape_cast %get3A_549 : vector<16xf32> to vector<16xf32>
        %add3A_551 = arith.addf %add3A_471, %get3A_550 : vector<16xf32>
        %mul3A_552 = arith.mulf %get3A_550, %get3A_550 : vector<16xf32>
        %add3A_553 = arith.addf %add3A_473, %mul3A_552 : vector<16xf32>
        %add3A_554 = arith.constant 512 : i32
        %add3A_555 = arith.addi %mul3A_184, %add3A_554 : i32
        %add3A_556 = arith.constant 80 : i32
        %add3A_557 = arith.addi %add3A_555, %add3A_556 : i32
        %get3A_558 = arith.index_cast %add3A_557 : i32 to index
        %get3A_559 = tpu.vector_load %arg5[%get3A_558] {strides = array<i32>} : memref<16000xf32, #tpu.memory_space<vmem>>, vector<16xf32>,
        %get3A_560 = vector.shape_cast %get3A_559 : vector<16xf32> to vector<16xf32>
        %add3A_561 = arith.addf %add3A_481, %get3A_560 : vector<16xf32>
        %mul3A_562 = arith.mulf %get3A_560, %get3A_560 : vector<16xf32>
        %add3A_563 = arith.addf %add3A_483, %mul3A_562 : vector<16xf32>
        %add3A_564 = arith.constant 512 : i32
        %add3A_565 = arith.addi %mul3A_184, %add3A_564 : i32
        %add3A_566 = arith.constant 96 : i32
        %add3A_567 = arith.addi %add3A_565, %add3A_566 : i32
        %get3A_568 = arith.index_cast %add3A_567 : i32 to index
        %get3A_569 = tpu.vector_load %arg5[%get3A_568] {strides = array<i32>} : memref<16000xf32, #tpu.memory_space<vmem>>, vector<16xf32>,
        %get3A_570 = vector.shape_cast %get3A_569 : vector<16xf32> to vector<16xf32>
        %add3A_571 = arith.addf %add3A_491, %get3A_570 : vector<16xf32>
        %mul3A_572 = arith.mulf %get3A_570, %get3A_570 : vector<16xf32>
        %add3A_573 = arith.addf %add3A_493, %mul3A_572 : vector<16xf32>
        %add3A_574 = arith.constant 512 : i32
        %add3A_575 = arith.addi %mul3A_184, %add3A_574 : i32
        %add3A_576 = arith.constant 112 : i32
        %add3A_577 = arith.addi %add3A_575, %add3A_576 : i32
        %get3A_578 = arith.index_cast %add3A_577 : i32 to index
        %get3A_579 = tpu.vector_load %arg5[%get3A_578] {strides = array<i32>} : memref<16000xf32, #tpu.memory_space<vmem>>, vector<16xf32>,
        %get3A_580 = vector.shape_cast %get3A_579 : vector<16xf32> to vector<16xf32>
        %add3A_581 = arith.addf %add3A_501, %get3A_580 : vector<16xf32>
        %mul3A_582 = arith.mulf %get3A_580, %get3A_580 : vector<16xf32>
        %add3A_583 = arith.addf %add3A_503, %mul3A_582 : vector<16xf32>
        scf.yield %add3A_511, %add3A_521, %add3A_531, %add3A_541, %add3A_551, %add3A_561, %add3A_571, %add3A_581, %add3A_513, %add3A_523, %add3A_533, %add3A_543, %add3A_553, %add3A_563, %add3A_573, %add3A_583 : vector<16xf32>, vector<16xf32>, vector<16xf32>, vector<16xf32>, vector<16xf32>, vector<16xf32>, vector<16xf32>, vector<16xf32>, vector<16xf32>, vector<16xf32>, vector<16xf32>, vector<16xf32>, vector<16xf32>, vector<16xf32>, vector<16xf32>, vector<16xf32>
      }
      %scan3A_158 = arith.constant 25 : i32
      %add3A_159 = arith.constant 3 : i32
      %add3A_160 = arith.addi %mul3A_135, %add3A_159 : i32
      %lt3A_161 = arith.constant 12 : i32
      %lt3A_162 = arith.cmpi slt, %add3A_160, %lt3A_161 : i32
      %convert_element_type3A_163 = arith.extui %lt3A_162 : i1 to i32
      %cond3A_164 = arith.constant 0 : i32
      %cond3A_165 = arith.cmpi ne, %convert_element_type3A_163, %cond3A_164 : i32
      scf.if %cond3A_165 {
        %add3A_166 = arith.constant 3 : i32
        %add3A_167 = arith.addi %mul3A_135, %add3A_166 : i32
        %mul3A_168 = arith.constant 16000 : i32
        %mul3A_169 = arith.muli %add3A_167, %mul3A_168 : i32
        %add3A_170 = arith.addi %mul3A_6, %mul3A_169 : i32
        %dma_start3A_171 = tpu.memref_slice %arg2[%add3A_170] : memref<12800000xf32, #tpu.memory_space<hbm>> -> memref<16000xf32, #tpu.memory_space<hbm>>
        %dma_start3A_172 = tpu.memref_slice %arg2[%add3A_170] : memref<12800000xf32, #tpu.memory_space<hbm>> -> memref<16000xf32, #tpu.memory_space<hbm>>
        tpu.enqueue_dma source(%dma_start3A_172 : memref<16000xf32, #tpu.memory_space<hbm>>) target(%arg5 : memref<16000xf32, #tpu.memory_space<vmem>>) target_semaphore(%arg8 : memref<!tpu.dma_semaphore, #tpu.memory_space<semaphore_mem>>)
      } else {
      }
      scf.yield %scan3A_157#0, %scan3A_157#1, %scan3A_157#2, %scan3A_157#3, %scan3A_157#4, %scan3A_157#5, %scan3A_157#6, %scan3A_157#7, %scan3A_157#8, %scan3A_157#9, %scan3A_157#10, %scan3A_157#11, %scan3A_157#12, %scan3A_157#13, %scan3A_157#14, %scan3A_157#15 : vector<16xf32>, vector<16xf32>, vector<16xf32>, vector<16xf32>, vector<16xf32>, vector<16xf32>, vector<16xf32>, vector<16xf32>, vector<16xf32>, vector<16xf32>, vector<16xf32>, vector<16xf32>, vector<16xf32>, vector<16xf32>, vector<16xf32>, vector<16xf32>
    }
    %scan3A_19 = arith.constant 6 : i32
    %swap3A = arith.constant 0 : i32
    %swap3A_20 = arith.index_cast %swap3A : i32 to index
    %swap3A_21 = arith.constant 0 : index
    %swap3A_22 = tpu.vector_load %arg6[%swap3A_20, %swap3A_21] {strides = array<i32>} : memref<2x128xf32, #tpu.memory_space<vmem>>, vector<1x16xf32>,
    %swap3A_23 = vector.shape_cast %swap3A_22 : vector<1x16xf32> to vector<16xf32>
    %swap3A_24 = vector.shape_cast %scan3A_18#0 : vector<16xf32> to vector<1x16xf32>
    tpu.vector_store %arg6[%swap3A_20, %swap3A_21], %swap3A_24 {strides = array<i32>} : memref<2x128xf32, #tpu.memory_space<vmem>>, vector<1x16xf32>,
    %swap3A_25 = arith.constant 1 : i32
    %swap3A_26 = arith.index_cast %swap3A_25 : i32 to index
    %swap3A_27 = arith.constant 0 : index
    %swap3A_28 = tpu.vector_load %arg6[%swap3A_26, %swap3A_27] {strides = array<i32>} : memref<2x128xf32, #tpu.memory_space<vmem>>, vector<1x16xf32>,
    %swap3A_29 = vector.shape_cast %swap3A_28 : vector<1x16xf32> to vector<16xf32>
    %swap3A_30 = vector.shape_cast %scan3A_18#8 : vector<16xf32> to vector<1x16xf32>
    tpu.vector_store %arg6[%swap3A_26, %swap3A_27], %swap3A_30 {strides = array<i32>} : memref<2x128xf32, #tpu.memory_space<vmem>>, vector<1x16xf32>,
    %swap3A_31 = arith.constant 0 : i32
    %swap3A_32 = arith.index_cast %swap3A_31 : i32 to index
    %swap3A_33 = arith.constant 16 : index
    %swap3A_34 = tpu.vector_load %arg6[%swap3A_32, %swap3A_33] {strides = array<i32>} : memref<2x128xf32, #tpu.memory_space<vmem>>, vector<1x16xf32>,
    %swap3A_35 = vector.shape_cast %swap3A_34 : vector<1x16xf32> to vector<16xf32>
    %swap3A_36 = vector.shape_cast %scan3A_18#1 : vector<16xf32> to vector<1x16xf32>
    tpu.vector_store %arg6[%swap3A_32, %swap3A_33], %swap3A_36 {strides = array<i32>} : memref<2x128xf32, #tpu.memory_space<vmem>>, vector<1x16xf32>,
    %swap3A_37 = arith.constant 1 : i32
    %swap3A_38 = arith.index_cast %swap3A_37 : i32 to index
    %swap3A_39 = arith.constant 16 : index
    %swap3A_40 = tpu.vector_load %arg6[%swap3A_38, %swap3A_39] {strides = array<i32>} : memref<2x128xf32, #tpu.memory_space<vmem>>, vector<1x16xf32>,
    %swap3A_41 = vector.shape_cast %swap3A_40 : vector<1x16xf32> to vector<16xf32>
    %swap3A_42 = vector.shape_cast %scan3A_18#9 : vector<16xf32> to vector<1x16xf32>
    tpu.vector_store %arg6[%swap3A_38, %swap3A_39], %swap3A_42 {strides = array<i32>} : memref<2x128xf32, #tpu.memory_space<vmem>>, vector<1x16xf32>,
    %swap3A_43 = arith.constant 0 : i32
    %swap3A_44 = arith.index_cast %swap3A_43 : i32 to index
    %swap3A_45 = arith.constant 32 : index
    %swap3A_46 = tpu.vector_load %arg6[%swap3A_44, %swap3A_45] {strides = array<i32>} : memref<2x128xf32, #tpu.memory_space<vmem>>, vector<1x16xf32>,
    %swap3A_47 = vector.shape_cast %swap3A_46 : vector<1x16xf32> to vector<16xf32>
    %swap3A_48 = vector.shape_cast %scan3A_18#2 : vector<16xf32> to vector<1x16xf32>
    tpu.vector_store %arg6[%swap3A_44, %swap3A_45], %swap3A_48 {strides = array<i32>} : memref<2x128xf32, #tpu.memory_space<vmem>>, vector<1x16xf32>,
    %swap3A_49 = arith.constant 1 : i32
    %swap3A_50 = arith.index_cast %swap3A_49 : i32 to index
    %swap3A_51 = arith.constant 32 : index
    %swap3A_52 = tpu.vector_load %arg6[%swap3A_50, %swap3A_51] {strides = array<i32>} : memref<2x128xf32, #tpu.memory_space<vmem>>, vector<1x16xf32>,
    %swap3A_53 = vector.shape_cast %swap3A_52 : vector<1x16xf32> to vector<16xf32>
    %swap3A_54 = vector.shape_cast %scan3A_18#10 : vector<16xf32> to vector<1x16xf32>
    tpu.vector_store %arg6[%swap3A_50, %swap3A_51], %swap3A_54 {strides = array<i32>} : memref<2x128xf32, #tpu.memory_space<vmem>>, vector<1x16xf32>,
    %swap3A_55 = arith.constant 0 : i32
    %swap3A_56 = arith.index_cast %swap3A_55 : i32 to index
    %swap3A_57 = arith.constant 48 : index
    %swap3A_58 = tpu.vector_load %arg6[%swap3A_56, %swap3A_57] {strides = array<i32>} : memref<2x128xf32, #tpu.memory_space<vmem>>, vector<1x16xf32>,
    %swap3A_59 = vector.shape_cast %swap3A_58 : vector<1x16xf32> to vector<16xf32>
    %swap3A_60 = vector.shape_cast %scan3A_18#3 : vector<16xf32> to vector<1x16xf32>
    tpu.vector_store %arg6[%swap3A_56, %swap3A_57], %swap3A_60 {strides = array<i32>} : memref<2x128xf32, #tpu.memory_space<vmem>>, vector<1x16xf32>,
    %swap3A_61 = arith.constant 1 : i32
    %swap3A_62 = arith.index_cast %swap3A_61 : i32 to index
    %swap3A_63 = arith.constant 48 : index
    %swap3A_64 = tpu.vector_load %arg6[%swap3A_62, %swap3A_63] {strides = array<i32>} : memref<2x128xf32, #tpu.memory_space<vmem>>, vector<1x16xf32>,
    %swap3A_65 = vector.shape_cast %swap3A_64 : vector<1x16xf32> to vector<16xf32>
    %swap3A_66 = vector.shape_cast %scan3A_18#11 : vector<16xf32> to vector<1x16xf32>
    tpu.vector_store %arg6[%swap3A_62, %swap3A_63], %swap3A_66 {strides = array<i32>} : memref<2x128xf32, #tpu.memory_space<vmem>>, vector<1x16xf32>,
    %swap3A_67 = arith.constant 0 : i32
    %swap3A_68 = arith.index_cast %swap3A_67 : i32 to index
    %swap3A_69 = arith.constant 64 : index
    %swap3A_70 = tpu.vector_load %arg6[%swap3A_68, %swap3A_69] {strides = array<i32>} : memref<2x128xf32, #tpu.memory_space<vmem>>, vector<1x16xf32>,
    %swap3A_71 = vector.shape_cast %swap3A_70 : vector<1x16xf32> to vector<16xf32>
    %swap3A_72 = vector.shape_cast %scan3A_18#4 : vector<16xf32> to vector<1x16xf32>
    tpu.vector_store %arg6[%swap3A_68, %swap3A_69], %swap3A_72 {strides = array<i32>} : memref<2x128xf32, #tpu.memory_space<vmem>>, vector<1x16xf32>,
    %swap3A_73 = arith.constant 1 : i32
    %swap3A_74 = arith.index_cast %swap3A_73 : i32 to index
    %swap3A_75 = arith.constant 64 : index
    %swap3A_76 = tpu.vector_load %arg6[%swap3A_74, %swap3A_75] {strides = array<i32>} : memref<2x128xf32, #tpu.memory_space<vmem>>, vector<1x16xf32>,
    %swap3A_77 = vector.shape_cast %swap3A_76 : vector<1x16xf32> to vector<16xf32>
    %swap3A_78 = vector.shape_cast %scan3A_18#12 : vector<16xf32> to vector<1x16xf32>
    tpu.vector_store %arg6[%swap3A_74, %swap3A_75], %swap3A_78 {strides = array<i32>} : memref<2x128xf32, #tpu.memory_space<vmem>>, vector<1x16xf32>,
    %swap3A_79 = arith.constant 0 : i32
    %swap3A_80 = arith.index_cast %swap3A_79 : i32 to index
    %swap3A_81 = arith.constant 80 : index
    %swap3A_82 = tpu.vector_load %arg6[%swap3A_80, %swap3A_81] {strides = array<i32>} : memref<2x128xf32, #tpu.memory_space<vmem>>, vector<1x16xf32>,
    %swap3A_83 = vector.shape_cast %swap3A_82 : vector<1x16xf32> to vector<16xf32>
    %swap3A_84 = vector.shape_cast %scan3A_18#5 : vector<16xf32> to vector<1x16xf32>
    tpu.vector_store %arg6[%swap3A_80, %swap3A_81], %swap3A_84 {strides = array<i32>} : memref<2x128xf32, #tpu.memory_space<vmem>>, vector<1x16xf32>,
    %swap3A_85 = arith.constant 1 : i32
    %swap3A_86 = arith.index_cast %swap3A_85 : i32 to index
    %swap3A_87 = arith.constant 80 : index
    %swap3A_88 = tpu.vector_load %arg6[%swap3A_86, %swap3A_87] {strides = array<i32>} : memref<2x128xf32, #tpu.memory_space<vmem>>, vector<1x16xf32>,
    %swap3A_89 = vector.shape_cast %swap3A_88 : vector<1x16xf32> to vector<16xf32>
    %swap3A_90 = vector.shape_cast %scan3A_18#13 : vector<16xf32> to vector<1x16xf32>
    tpu.vector_store %arg6[%swap3A_86, %swap3A_87], %swap3A_90 {strides = array<i32>} : memref<2x128xf32, #tpu.memory_space<vmem>>, vector<1x16xf32>,
    %swap3A_91 = arith.constant 0 : i32
    %swap3A_92 = arith.index_cast %swap3A_91 : i32 to index
    %swap3A_93 = arith.constant 96 : index
    %swap3A_94 = tpu.vector_load %arg6[%swap3A_92, %swap3A_93] {strides = array<i32>} : memref<2x128xf32, #tpu.memory_space<vmem>>, vector<1x16xf32>,
    %swap3A_95 = vector.shape_cast %swap3A_94 : vector<1x16xf32> to vector<16xf32>
    %swap3A_96 = vector.shape_cast %scan3A_18#6 : vector<16xf32> to vector<1x16xf32>
    tpu.vector_store %arg6[%swap3A_92, %swap3A_93], %swap3A_96 {strides = array<i32>} : memref<2x128xf32, #tpu.memory_space<vmem>>, vector<1x16xf32>,
    %swap3A_97 = arith.constant 1 : i32
    %swap3A_98 = arith.index_cast %swap3A_97 : i32 to index
    %swap3A_99 = arith.constant 96 : index
    %swap3A_100 = tpu.vector_load %arg6[%swap3A_98, %swap3A_99] {strides = array<i32>} : memref<2x128xf32, #tpu.memory_space<vmem>>, vector<1x16xf32>,
    %swap3A_101 = vector.shape_cast %swap3A_100 : vector<1x16xf32> to vector<16xf32>
    %swap3A_102 = vector.shape_cast %scan3A_18#14 : vector<16xf32> to vector<1x16xf32>
    tpu.vector_store %arg6[%swap3A_98, %swap3A_99], %swap3A_102 {strides = array<i32>} : memref<2x128xf32, #tpu.memory_space<vmem>>, vector<1x16xf32>,
    %swap3A_103 = arith.constant 0 : i32
    %swap3A_104 = arith.index_cast %swap3A_103 : i32 to index
    %swap3A_105 = arith.constant 112 : index
    %swap3A_106 = tpu.vector_load %arg6[%swap3A_104, %swap3A_105] {strides = array<i32>} : memref<2x128xf32, #tpu.memory_space<vmem>>, vector<1x16xf32>,
    %swap3A_107 = vector.shape_cast %swap3A_106 : vector<1x16xf32> to vector<16xf32>
    %swap3A_108 = vector.shape_cast %scan3A_18#7 : vector<16xf32> to vector<1x16xf32>
    tpu.vector_store %arg6[%swap3A_104, %swap3A_105], %swap3A_108 {strides = array<i32>} : memref<2x128xf32, #tpu.memory_space<vmem>>, vector<1x16xf32>,
    %swap3A_109 = arith.constant 1 : i32
    %swap3A_110 = arith.index_cast %swap3A_109 : i32 to index
    %swap3A_111 = arith.constant 112 : index
    %swap3A_112 = tpu.vector_load %arg6[%swap3A_110, %swap3A_111] {strides = array<i32>} : memref<2x128xf32, #tpu.memory_space<vmem>>, vector<1x16xf32>,
    %swap3A_113 = vector.shape_cast %swap3A_112 : vector<1x16xf32> to vector<16xf32>
    %swap3A_114 = vector.shape_cast %scan3A_18#15 : vector<16xf32> to vector<1x16xf32>
    tpu.vector_store %arg6[%swap3A_110, %swap3A_111], %swap3A_114 {strides = array<i32>} : memref<2x128xf32, #tpu.memory_space<vmem>>, vector<1x16xf32>,
    %mul3A_115 = arith.constant 2 : i32
    %mul3A_116 = arith.muli %mul3A_115, %add3A : i32
    "tpu.region"() ({
      %run_scoped3A = tpu.sem_alloc : memref<!tpu.dma_semaphore, #tpu.memory_space<semaphore_mem>>
      %dma_start3A_117 = arith.constant 0 : i32
      %dma_start3A_118 = tpu.memref_slice %arg3[%mul3A_116, %dma_start3A_117] : memref<64x128xf32, #tpu.memory_space<hbm>> -> memref<2x128xf32, #tpu.memory_space<hbm>>
      %dma_start3A_119 = arith.constant 0 : i32
      %dma_start3A_120 = tpu.memref_slice %arg3[%mul3A_116, %dma_start3A_119] : memref<64x128xf32, #tpu.memory_space<hbm>> -> memref<2x128xf32, #tpu.memory_space<hbm>>
      tpu.enqueue_dma source(%arg6 : memref<2x128xf32, #tpu.memory_space<vmem>>) target(%dma_start3A_120 : memref<2x128xf32, #tpu.memory_space<hbm>>) target_semaphore(%run_scoped3A : memref<!tpu.dma_semaphore, #tpu.memory_space<semaphore_mem>>)
      %dma_wait3A = arith.constant 0 : i32
      %dma_wait3A_121 = tpu.memref_slice %arg3[%mul3A_116, %dma_wait3A] : memref<64x128xf32, #tpu.memory_space<hbm>> -> memref<2x128xf32, #tpu.memory_space<hbm>>
      %dma_wait3A_122 = arith.constant 0 : i32
      %dma_wait3A_123 = tpu.memref_slice %arg3[%mul3A_116, %dma_wait3A_122] : memref<64x128xf32, #tpu.memory_space<hbm>> -> memref<2x128xf32, #tpu.memory_space<hbm>>
      tpu.wait_dma2 semaphore(%run_scoped3A : memref<!tpu.dma_semaphore, #tpu.memory_space<semaphore_mem>>) src(%arg6 : memref<2x128xf32, #tpu.memory_space<vmem>>) dst(%dma_wait3A_123 : memref<2x128xf32, #tpu.memory_space<hbm>>)
      tpu.yield
    }) : () -> ()
    return
  }
}

module attributes {stable_mosaic.version = 14 : i64} {
  func.func @_tc_body(%arg0: i32, %arg1: memref<1xi32, #tpu.memory_space<smem>>, %arg2: memref<8x128xf32, #tpu.memory_space<vmem>>, %arg3: memref<13000x128xf32, #tpu.memory_space<vmem>>, %arg4: memref<8x128xf32, #tpu.memory_space<vmem>>) attributes {dimension_semantics = [#tpu.dimension_semantics<arbitrary>], iteration_bounds = array<i64: 4>, scalar_prefetch = 1 : i64, scratch_operands = 0 : i64, tpu.core_type = #tpu.core_type<tc>, window_params = [{transform_indices = @transform_0, window_bounds = array<i64: 8, 128>}, {transform_indices = @transform_1, window_bounds = array<i64: 13000, 128>}, {pipeline_mode = #tpu.pipeline_mode<synchronous>, transform_indices = @transform_2, window_bounds = array<i64: 8, 128>}]} {
    %eq3A = arith.constant 0 : i32
    %eq3A_0 = arith.cmpi eq, %arg0, %eq3A : i32
    %convert_element_type3A = arith.extui %eq3A_0 : i1 to i32
    %cond3A = arith.constant 0 : i32
    %cond3A_1 = arith.cmpi ne, %convert_element_type3A, %cond3A : i32
    scf.if %cond3A_1 {
      %broadcast_in_dim3A_436 = arith.constant 0.000000e+00 : f32
      %broadcast_in_dim3A_437 = vector.broadcast %broadcast_in_dim3A_436 : f32 to vector<8x128xf32>
      %swap3A_438 = arith.constant 0 : index
      %swap3A_439 = arith.constant 0 : index
      %swap3A_440 = vector.load %arg4[%swap3A_438, %swap3A_439] : memref<8x128xf32, #tpu.memory_space<vmem>>, vector<8x128xf32>
      tpu.vector_store %arg4[%swap3A_438, %swap3A_439], %broadcast_in_dim3A_437 {strides = array<i32>} : memref<8x128xf32, #tpu.memory_space<vmem>>, vector<8x128xf32>,
    } else {
    }
    %get3A = arith.constant 0 : index
    %get3A_2 = memref.load %arg1[%get3A] : memref<1xi32, #tpu.memory_space<smem>>
    %jit3A = arith.constant 8 : i32
    %eq3A_3 = arith.constant 0 : i32
    %eq3A_4 = arith.cmpi eq, %jit3A, %eq3A_3 : i32
    %jit3A_5 = arith.constant 1 : i32
    %select_n3A = arith.select %eq3A_4, %jit3A_5, %jit3A : i32
    %rem3A = arith.remsi %get3A_2, %select_n3A : i32
    %ne3A = arith.constant 0 : i32
    %ne3A_6 = arith.cmpi ne, %rem3A, %ne3A : i32
    %lt3A = arith.constant 0 : i32
    %lt3A_7 = arith.cmpi slt, %rem3A, %lt3A : i32
    %lt3A_8 = arith.constant 0 : i32
    %lt3A_9 = arith.cmpi slt, %select_n3A, %lt3A_8 : i32
    %ne3A_10 = arith.xori %lt3A_7, %lt3A_9 : i1
    %and3A = arith.andi %ne3A_10, %ne3A_6 : i1
    %add3A = arith.addi %rem3A, %select_n3A : i32
    %select_n3A_11 = arith.select %and3A, %add3A, %rem3A : i32
    %iota3A = tpu.iota {dimensions = array<i32: 0>} : vector<8x128xi32>
    %eq3A_12 = vector.broadcast %select_n3A_11 : i32 to vector<8x128xi32>
    %eq3A_13 = arith.cmpi eq, %iota3A, %eq3A_12 : vector<8x128xi32>
    %get3A_14 = arith.constant 0 : index
    %get3A_15 = arith.constant 0 : index
    %get3A_16 = vector.load %arg2[%get3A_14, %get3A_15] : memref<8x128xf32, #tpu.memory_space<vmem>>, vector<8x128xf32>
    %jit3A_17 = arith.constant 0.000000e+00 : f32
    %broadcast_in_dim3A = vector.broadcast %jit3A_17 : f32 to vector<8x128xf32>
    %select_n3A_18 = arith.select %eq3A_13, %get3A_16, %broadcast_in_dim3A : vector<8x128xi1>, vector<8x128xf32>
    %reduce_sum3A = arith.constant dense<0.000000e+00> : vector<128xf32>
    %reduce_sum3A_19 = vector.multi_reduction <add>, %select_n3A_18, %reduce_sum3A [0] : vector<8x128xf32> to vector<128xf32>
    %broadcast_in_dim3A_20 = vector.shape_cast %reduce_sum3A_19 : vector<128xf32> to vector<1x128xf32>
    %get3A_21 = arith.constant 0 : index
    %get3A_22 = arith.constant 0 : index
    %get3A_23 = vector.load %arg3[%get3A_21, %get3A_22] : memref<13000x128xf32, #tpu.memory_space<vmem>>, vector<13000x128xf32>
    %reshape3A = vector.shape_cast %get3A_23 : vector<13000x128xf32> to vector<25x520x128xf32>
    %slice3A = vector.extract_strided_slice %reshape3A {offsets = [0, 0, 0], sizes = [25, 8, 128], strides = [1, 1, 1]} : vector<25x520x128xf32> to vector<25x8x128xf32>
    %broadcast_in_dim3A_24 = vector.shape_cast %broadcast_in_dim3A_20 : vector<1x128xf32> to vector<1x1x128xf32>
    %sub3A = vector.broadcast %broadcast_in_dim3A_24 : vector<1x1x128xf32> to vector<25x8x128xf32>
    %sub3A_25 = arith.subf %slice3A, %sub3A : vector<25x8x128xf32>
    %mul3A = arith.mulf %sub3A_25, %sub3A_25 : vector<25x8x128xf32>
    %slice3A_26 = vector.extract_strided_slice %reshape3A {offsets = [0, 8, 0], sizes = [25, 8, 128], strides = [1, 1, 1]} : vector<25x520x128xf32> to vector<25x8x128xf32>
    %broadcast_in_dim3A_27 = vector.shape_cast %broadcast_in_dim3A_20 : vector<1x128xf32> to vector<1x1x128xf32>
    %sub3A_28 = vector.broadcast %broadcast_in_dim3A_27 : vector<1x1x128xf32> to vector<25x8x128xf32>
    %sub3A_29 = arith.subf %slice3A_26, %sub3A_28 : vector<25x8x128xf32>
    %mul3A_30 = arith.mulf %sub3A_29, %sub3A_29 : vector<25x8x128xf32>
    %add3A_31 = arith.addf %mul3A, %mul3A_30 : vector<25x8x128xf32>
    %slice3A_32 = vector.extract_strided_slice %reshape3A {offsets = [0, 16, 0], sizes = [25, 8, 128], strides = [1, 1, 1]} : vector<25x520x128xf32> to vector<25x8x128xf32>
    %broadcast_in_dim3A_33 = vector.shape_cast %broadcast_in_dim3A_20 : vector<1x128xf32> to vector<1x1x128xf32>
    %sub3A_34 = vector.broadcast %broadcast_in_dim3A_33 : vector<1x1x128xf32> to vector<25x8x128xf32>
    %sub3A_35 = arith.subf %slice3A_32, %sub3A_34 : vector<25x8x128xf32>
    %mul3A_36 = arith.mulf %sub3A_35, %sub3A_35 : vector<25x8x128xf32>
    %add3A_37 = arith.addf %add3A_31, %mul3A_36 : vector<25x8x128xf32>
    %slice3A_38 = vector.extract_strided_slice %reshape3A {offsets = [0, 24, 0], sizes = [25, 8, 128], strides = [1, 1, 1]} : vector<25x520x128xf32> to vector<25x8x128xf32>
    %broadcast_in_dim3A_39 = vector.shape_cast %broadcast_in_dim3A_20 : vector<1x128xf32> to vector<1x1x128xf32>
    %sub3A_40 = vector.broadcast %broadcast_in_dim3A_39 : vector<1x1x128xf32> to vector<25x8x128xf32>
    %sub3A_41 = arith.subf %slice3A_38, %sub3A_40 : vector<25x8x128xf32>
    %mul3A_42 = arith.mulf %sub3A_41, %sub3A_41 : vector<25x8x128xf32>
    %add3A_43 = arith.addf %add3A_37, %mul3A_42 : vector<25x8x128xf32>
    %slice3A_44 = vector.extract_strided_slice %reshape3A {offsets = [0, 32, 0], sizes = [25, 8, 128], strides = [1, 1, 1]} : vector<25x520x128xf32> to vector<25x8x128xf32>
    %broadcast_in_dim3A_45 = vector.shape_cast %broadcast_in_dim3A_20 : vector<1x128xf32> to vector<1x1x128xf32>
    %sub3A_46 = vector.broadcast %broadcast_in_dim3A_45 : vector<1x1x128xf32> to vector<25x8x128xf32>
    %sub3A_47 = arith.subf %slice3A_44, %sub3A_46 : vector<25x8x128xf32>
    %mul3A_48 = arith.mulf %sub3A_47, %sub3A_47 : vector<25x8x128xf32>
    %add3A_49 = arith.addf %add3A_43, %mul3A_48 : vector<25x8x128xf32>
    %slice3A_50 = vector.extract_strided_slice %reshape3A {offsets = [0, 40, 0], sizes = [25, 8, 128], strides = [1, 1, 1]} : vector<25x520x128xf32> to vector<25x8x128xf32>
    %broadcast_in_dim3A_51 = vector.shape_cast %broadcast_in_dim3A_20 : vector<1x128xf32> to vector<1x1x128xf32>
    %sub3A_52 = vector.broadcast %broadcast_in_dim3A_51 : vector<1x1x128xf32> to vector<25x8x128xf32>
    %sub3A_53 = arith.subf %slice3A_50, %sub3A_52 : vector<25x8x128xf32>
    %mul3A_54 = arith.mulf %sub3A_53, %sub3A_53 : vector<25x8x128xf32>
    %add3A_55 = arith.addf %add3A_49, %mul3A_54 : vector<25x8x128xf32>
    %slice3A_56 = vector.extract_strided_slice %reshape3A {offsets = [0, 48, 0], sizes = [25, 8, 128], strides = [1, 1, 1]} : vector<25x520x128xf32> to vector<25x8x128xf32>
    %broadcast_in_dim3A_57 = vector.shape_cast %broadcast_in_dim3A_20 : vector<1x128xf32> to vector<1x1x128xf32>
    %sub3A_58 = vector.broadcast %broadcast_in_dim3A_57 : vector<1x1x128xf32> to vector<25x8x128xf32>
    %sub3A_59 = arith.subf %slice3A_56, %sub3A_58 : vector<25x8x128xf32>
    %mul3A_60 = arith.mulf %sub3A_59, %sub3A_59 : vector<25x8x128xf32>
    %add3A_61 = arith.addf %add3A_55, %mul3A_60 : vector<25x8x128xf32>
    %slice3A_62 = vector.extract_strided_slice %reshape3A {offsets = [0, 56, 0], sizes = [25, 8, 128], strides = [1, 1, 1]} : vector<25x520x128xf32> to vector<25x8x128xf32>
    %broadcast_in_dim3A_63 = vector.shape_cast %broadcast_in_dim3A_20 : vector<1x128xf32> to vector<1x1x128xf32>
    %sub3A_64 = vector.broadcast %broadcast_in_dim3A_63 : vector<1x1x128xf32> to vector<25x8x128xf32>
    %sub3A_65 = arith.subf %slice3A_62, %sub3A_64 : vector<25x8x128xf32>
    %mul3A_66 = arith.mulf %sub3A_65, %sub3A_65 : vector<25x8x128xf32>
    %add3A_67 = arith.addf %add3A_61, %mul3A_66 : vector<25x8x128xf32>
    %slice3A_68 = vector.extract_strided_slice %reshape3A {offsets = [0, 64, 0], sizes = [25, 8, 128], strides = [1, 1, 1]} : vector<25x520x128xf32> to vector<25x8x128xf32>
    %broadcast_in_dim3A_69 = vector.shape_cast %broadcast_in_dim3A_20 : vector<1x128xf32> to vector<1x1x128xf32>
    %sub3A_70 = vector.broadcast %broadcast_in_dim3A_69 : vector<1x1x128xf32> to vector<25x8x128xf32>
    %sub3A_71 = arith.subf %slice3A_68, %sub3A_70 : vector<25x8x128xf32>
    %mul3A_72 = arith.mulf %sub3A_71, %sub3A_71 : vector<25x8x128xf32>
    %add3A_73 = arith.addf %add3A_67, %mul3A_72 : vector<25x8x128xf32>
    %slice3A_74 = vector.extract_strided_slice %reshape3A {offsets = [0, 72, 0], sizes = [25, 8, 128], strides = [1, 1, 1]} : vector<25x520x128xf32> to vector<25x8x128xf32>
    %broadcast_in_dim3A_75 = vector.shape_cast %broadcast_in_dim3A_20 : vector<1x128xf32> to vector<1x1x128xf32>
    %sub3A_76 = vector.broadcast %broadcast_in_dim3A_75 : vector<1x1x128xf32> to vector<25x8x128xf32>
    %sub3A_77 = arith.subf %slice3A_74, %sub3A_76 : vector<25x8x128xf32>
    %mul3A_78 = arith.mulf %sub3A_77, %sub3A_77 : vector<25x8x128xf32>
    %add3A_79 = arith.addf %add3A_73, %mul3A_78 : vector<25x8x128xf32>
    %slice3A_80 = vector.extract_strided_slice %reshape3A {offsets = [0, 80, 0], sizes = [25, 8, 128], strides = [1, 1, 1]} : vector<25x520x128xf32> to vector<25x8x128xf32>
    %broadcast_in_dim3A_81 = vector.shape_cast %broadcast_in_dim3A_20 : vector<1x128xf32> to vector<1x1x128xf32>
    %sub3A_82 = vector.broadcast %broadcast_in_dim3A_81 : vector<1x1x128xf32> to vector<25x8x128xf32>
    %sub3A_83 = arith.subf %slice3A_80, %sub3A_82 : vector<25x8x128xf32>
    %mul3A_84 = arith.mulf %sub3A_83, %sub3A_83 : vector<25x8x128xf32>
    %add3A_85 = arith.addf %add3A_79, %mul3A_84 : vector<25x8x128xf32>
    %slice3A_86 = vector.extract_strided_slice %reshape3A {offsets = [0, 88, 0], sizes = [25, 8, 128], strides = [1, 1, 1]} : vector<25x520x128xf32> to vector<25x8x128xf32>
    %broadcast_in_dim3A_87 = vector.shape_cast %broadcast_in_dim3A_20 : vector<1x128xf32> to vector<1x1x128xf32>
    %sub3A_88 = vector.broadcast %broadcast_in_dim3A_87 : vector<1x1x128xf32> to vector<25x8x128xf32>
    %sub3A_89 = arith.subf %slice3A_86, %sub3A_88 : vector<25x8x128xf32>
    %mul3A_90 = arith.mulf %sub3A_89, %sub3A_89 : vector<25x8x128xf32>
    %add3A_91 = arith.addf %add3A_85, %mul3A_90 : vector<25x8x128xf32>
    %slice3A_92 = vector.extract_strided_slice %reshape3A {offsets = [0, 96, 0], sizes = [25, 8, 128], strides = [1, 1, 1]} : vector<25x520x128xf32> to vector<25x8x128xf32>
    %broadcast_in_dim3A_93 = vector.shape_cast %broadcast_in_dim3A_20 : vector<1x128xf32> to vector<1x1x128xf32>
    %sub3A_94 = vector.broadcast %broadcast_in_dim3A_93 : vector<1x1x128xf32> to vector<25x8x128xf32>
    %sub3A_95 = arith.subf %slice3A_92, %sub3A_94 : vector<25x8x128xf32>
    %mul3A_96 = arith.mulf %sub3A_95, %sub3A_95 : vector<25x8x128xf32>
    %add3A_97 = arith.addf %add3A_91, %mul3A_96 : vector<25x8x128xf32>
    %slice3A_98 = vector.extract_strided_slice %reshape3A {offsets = [0, 104, 0], sizes = [25, 8, 128], strides = [1, 1, 1]} : vector<25x520x128xf32> to vector<25x8x128xf32>
    %broadcast_in_dim3A_99 = vector.shape_cast %broadcast_in_dim3A_20 : vector<1x128xf32> to vector<1x1x128xf32>
    %sub3A_100 = vector.broadcast %broadcast_in_dim3A_99 : vector<1x1x128xf32> to vector<25x8x128xf32>
    %sub3A_101 = arith.subf %slice3A_98, %sub3A_100 : vector<25x8x128xf32>
    %mul3A_102 = arith.mulf %sub3A_101, %sub3A_101 : vector<25x8x128xf32>
    %add3A_103 = arith.addf %add3A_97, %mul3A_102 : vector<25x8x128xf32>
    %slice3A_104 = vector.extract_strided_slice %reshape3A {offsets = [0, 112, 0], sizes = [25, 8, 128], strides = [1, 1, 1]} : vector<25x520x128xf32> to vector<25x8x128xf32>
    %broadcast_in_dim3A_105 = vector.shape_cast %broadcast_in_dim3A_20 : vector<1x128xf32> to vector<1x1x128xf32>
    %sub3A_106 = vector.broadcast %broadcast_in_dim3A_105 : vector<1x1x128xf32> to vector<25x8x128xf32>
    %sub3A_107 = arith.subf %slice3A_104, %sub3A_106 : vector<25x8x128xf32>
    %mul3A_108 = arith.mulf %sub3A_107, %sub3A_107 : vector<25x8x128xf32>
    %add3A_109 = arith.addf %add3A_103, %mul3A_108 : vector<25x8x128xf32>
    %slice3A_110 = vector.extract_strided_slice %reshape3A {offsets = [0, 120, 0], sizes = [25, 8, 128], strides = [1, 1, 1]} : vector<25x520x128xf32> to vector<25x8x128xf32>
    %broadcast_in_dim3A_111 = vector.shape_cast %broadcast_in_dim3A_20 : vector<1x128xf32> to vector<1x1x128xf32>
    %sub3A_112 = vector.broadcast %broadcast_in_dim3A_111 : vector<1x1x128xf32> to vector<25x8x128xf32>
    %sub3A_113 = arith.subf %slice3A_110, %sub3A_112 : vector<25x8x128xf32>
    %mul3A_114 = arith.mulf %sub3A_113, %sub3A_113 : vector<25x8x128xf32>
    %add3A_115 = arith.addf %add3A_109, %mul3A_114 : vector<25x8x128xf32>
    %slice3A_116 = vector.extract_strided_slice %reshape3A {offsets = [0, 128, 0], sizes = [25, 8, 128], strides = [1, 1, 1]} : vector<25x520x128xf32> to vector<25x8x128xf32>
    %broadcast_in_dim3A_117 = vector.shape_cast %broadcast_in_dim3A_20 : vector<1x128xf32> to vector<1x1x128xf32>
    %sub3A_118 = vector.broadcast %broadcast_in_dim3A_117 : vector<1x1x128xf32> to vector<25x8x128xf32>
    %sub3A_119 = arith.subf %slice3A_116, %sub3A_118 : vector<25x8x128xf32>
    %mul3A_120 = arith.mulf %sub3A_119, %sub3A_119 : vector<25x8x128xf32>
    %add3A_121 = arith.addf %add3A_115, %mul3A_120 : vector<25x8x128xf32>
    %slice3A_122 = vector.extract_strided_slice %reshape3A {offsets = [0, 136, 0], sizes = [25, 8, 128], strides = [1, 1, 1]} : vector<25x520x128xf32> to vector<25x8x128xf32>
    %broadcast_in_dim3A_123 = vector.shape_cast %broadcast_in_dim3A_20 : vector<1x128xf32> to vector<1x1x128xf32>
    %sub3A_124 = vector.broadcast %broadcast_in_dim3A_123 : vector<1x1x128xf32> to vector<25x8x128xf32>
    %sub3A_125 = arith.subf %slice3A_122, %sub3A_124 : vector<25x8x128xf32>
    %mul3A_126 = arith.mulf %sub3A_125, %sub3A_125 : vector<25x8x128xf32>
    %add3A_127 = arith.addf %add3A_121, %mul3A_126 : vector<25x8x128xf32>
    %slice3A_128 = vector.extract_strided_slice %reshape3A {offsets = [0, 144, 0], sizes = [25, 8, 128], strides = [1, 1, 1]} : vector<25x520x128xf32> to vector<25x8x128xf32>
    %broadcast_in_dim3A_129 = vector.shape_cast %broadcast_in_dim3A_20 : vector<1x128xf32> to vector<1x1x128xf32>
    %sub3A_130 = vector.broadcast %broadcast_in_dim3A_129 : vector<1x1x128xf32> to vector<25x8x128xf32>
    %sub3A_131 = arith.subf %slice3A_128, %sub3A_130 : vector<25x8x128xf32>
    %mul3A_132 = arith.mulf %sub3A_131, %sub3A_131 : vector<25x8x128xf32>
    %add3A_133 = arith.addf %add3A_127, %mul3A_132 : vector<25x8x128xf32>
    %slice3A_134 = vector.extract_strided_slice %reshape3A {offsets = [0, 152, 0], sizes = [25, 8, 128], strides = [1, 1, 1]} : vector<25x520x128xf32> to vector<25x8x128xf32>
    %broadcast_in_dim3A_135 = vector.shape_cast %broadcast_in_dim3A_20 : vector<1x128xf32> to vector<1x1x128xf32>
    %sub3A_136 = vector.broadcast %broadcast_in_dim3A_135 : vector<1x1x128xf32> to vector<25x8x128xf32>
    %sub3A_137 = arith.subf %slice3A_134, %sub3A_136 : vector<25x8x128xf32>
    %mul3A_138 = arith.mulf %sub3A_137, %sub3A_137 : vector<25x8x128xf32>
    %add3A_139 = arith.addf %add3A_133, %mul3A_138 : vector<25x8x128xf32>
    %slice3A_140 = vector.extract_strided_slice %reshape3A {offsets = [0, 160, 0], sizes = [25, 8, 128], strides = [1, 1, 1]} : vector<25x520x128xf32> to vector<25x8x128xf32>
    %broadcast_in_dim3A_141 = vector.shape_cast %broadcast_in_dim3A_20 : vector<1x128xf32> to vector<1x1x128xf32>
    %sub3A_142 = vector.broadcast %broadcast_in_dim3A_141 : vector<1x1x128xf32> to vector<25x8x128xf32>
    %sub3A_143 = arith.subf %slice3A_140, %sub3A_142 : vector<25x8x128xf32>
    %mul3A_144 = arith.mulf %sub3A_143, %sub3A_143 : vector<25x8x128xf32>
    %add3A_145 = arith.addf %add3A_139, %mul3A_144 : vector<25x8x128xf32>
    %slice3A_146 = vector.extract_strided_slice %reshape3A {offsets = [0, 168, 0], sizes = [25, 8, 128], strides = [1, 1, 1]} : vector<25x520x128xf32> to vector<25x8x128xf32>
    %broadcast_in_dim3A_147 = vector.shape_cast %broadcast_in_dim3A_20 : vector<1x128xf32> to vector<1x1x128xf32>
    %sub3A_148 = vector.broadcast %broadcast_in_dim3A_147 : vector<1x1x128xf32> to vector<25x8x128xf32>
    %sub3A_149 = arith.subf %slice3A_146, %sub3A_148 : vector<25x8x128xf32>
    %mul3A_150 = arith.mulf %sub3A_149, %sub3A_149 : vector<25x8x128xf32>
    %add3A_151 = arith.addf %add3A_145, %mul3A_150 : vector<25x8x128xf32>
    %slice3A_152 = vector.extract_strided_slice %reshape3A {offsets = [0, 176, 0], sizes = [25, 8, 128], strides = [1, 1, 1]} : vector<25x520x128xf32> to vector<25x8x128xf32>
    %broadcast_in_dim3A_153 = vector.shape_cast %broadcast_in_dim3A_20 : vector<1x128xf32> to vector<1x1x128xf32>
    %sub3A_154 = vector.broadcast %broadcast_in_dim3A_153 : vector<1x1x128xf32> to vector<25x8x128xf32>
    %sub3A_155 = arith.subf %slice3A_152, %sub3A_154 : vector<25x8x128xf32>
    %mul3A_156 = arith.mulf %sub3A_155, %sub3A_155 : vector<25x8x128xf32>
    %add3A_157 = arith.addf %add3A_151, %mul3A_156 : vector<25x8x128xf32>
    %slice3A_158 = vector.extract_strided_slice %reshape3A {offsets = [0, 184, 0], sizes = [25, 8, 128], strides = [1, 1, 1]} : vector<25x520x128xf32> to vector<25x8x128xf32>
    %broadcast_in_dim3A_159 = vector.shape_cast %broadcast_in_dim3A_20 : vector<1x128xf32> to vector<1x1x128xf32>
    %sub3A_160 = vector.broadcast %broadcast_in_dim3A_159 : vector<1x1x128xf32> to vector<25x8x128xf32>
    %sub3A_161 = arith.subf %slice3A_158, %sub3A_160 : vector<25x8x128xf32>
    %mul3A_162 = arith.mulf %sub3A_161, %sub3A_161 : vector<25x8x128xf32>
    %add3A_163 = arith.addf %add3A_157, %mul3A_162 : vector<25x8x128xf32>
    %slice3A_164 = vector.extract_strided_slice %reshape3A {offsets = [0, 192, 0], sizes = [25, 8, 128], strides = [1, 1, 1]} : vector<25x520x128xf32> to vector<25x8x128xf32>
    %broadcast_in_dim3A_165 = vector.shape_cast %broadcast_in_dim3A_20 : vector<1x128xf32> to vector<1x1x128xf32>
    %sub3A_166 = vector.broadcast %broadcast_in_dim3A_165 : vector<1x1x128xf32> to vector<25x8x128xf32>
    %sub3A_167 = arith.subf %slice3A_164, %sub3A_166 : vector<25x8x128xf32>
    %mul3A_168 = arith.mulf %sub3A_167, %sub3A_167 : vector<25x8x128xf32>
    %add3A_169 = arith.addf %add3A_163, %mul3A_168 : vector<25x8x128xf32>
    %slice3A_170 = vector.extract_strided_slice %reshape3A {offsets = [0, 200, 0], sizes = [25, 8, 128], strides = [1, 1, 1]} : vector<25x520x128xf32> to vector<25x8x128xf32>
    %broadcast_in_dim3A_171 = vector.shape_cast %broadcast_in_dim3A_20 : vector<1x128xf32> to vector<1x1x128xf32>
    %sub3A_172 = vector.broadcast %broadcast_in_dim3A_171 : vector<1x1x128xf32> to vector<25x8x128xf32>
    %sub3A_173 = arith.subf %slice3A_170, %sub3A_172 : vector<25x8x128xf32>
    %mul3A_174 = arith.mulf %sub3A_173, %sub3A_173 : vector<25x8x128xf32>
    %add3A_175 = arith.addf %add3A_169, %mul3A_174 : vector<25x8x128xf32>
    %slice3A_176 = vector.extract_strided_slice %reshape3A {offsets = [0, 208, 0], sizes = [25, 8, 128], strides = [1, 1, 1]} : vector<25x520x128xf32> to vector<25x8x128xf32>
    %broadcast_in_dim3A_177 = vector.shape_cast %broadcast_in_dim3A_20 : vector<1x128xf32> to vector<1x1x128xf32>
    %sub3A_178 = vector.broadcast %broadcast_in_dim3A_177 : vector<1x1x128xf32> to vector<25x8x128xf32>
    %sub3A_179 = arith.subf %slice3A_176, %sub3A_178 : vector<25x8x128xf32>
    %mul3A_180 = arith.mulf %sub3A_179, %sub3A_179 : vector<25x8x128xf32>
    %add3A_181 = arith.addf %add3A_175, %mul3A_180 : vector<25x8x128xf32>
    %slice3A_182 = vector.extract_strided_slice %reshape3A {offsets = [0, 216, 0], sizes = [25, 8, 128], strides = [1, 1, 1]} : vector<25x520x128xf32> to vector<25x8x128xf32>
    %broadcast_in_dim3A_183 = vector.shape_cast %broadcast_in_dim3A_20 : vector<1x128xf32> to vector<1x1x128xf32>
    %sub3A_184 = vector.broadcast %broadcast_in_dim3A_183 : vector<1x1x128xf32> to vector<25x8x128xf32>
    %sub3A_185 = arith.subf %slice3A_182, %sub3A_184 : vector<25x8x128xf32>
    %mul3A_186 = arith.mulf %sub3A_185, %sub3A_185 : vector<25x8x128xf32>
    %add3A_187 = arith.addf %add3A_181, %mul3A_186 : vector<25x8x128xf32>
    %slice3A_188 = vector.extract_strided_slice %reshape3A {offsets = [0, 224, 0], sizes = [25, 8, 128], strides = [1, 1, 1]} : vector<25x520x128xf32> to vector<25x8x128xf32>
    %broadcast_in_dim3A_189 = vector.shape_cast %broadcast_in_dim3A_20 : vector<1x128xf32> to vector<1x1x128xf32>
    %sub3A_190 = vector.broadcast %broadcast_in_dim3A_189 : vector<1x1x128xf32> to vector<25x8x128xf32>
    %sub3A_191 = arith.subf %slice3A_188, %sub3A_190 : vector<25x8x128xf32>
    %mul3A_192 = arith.mulf %sub3A_191, %sub3A_191 : vector<25x8x128xf32>
    %add3A_193 = arith.addf %add3A_187, %mul3A_192 : vector<25x8x128xf32>
    %slice3A_194 = vector.extract_strided_slice %reshape3A {offsets = [0, 232, 0], sizes = [25, 8, 128], strides = [1, 1, 1]} : vector<25x520x128xf32> to vector<25x8x128xf32>
    %broadcast_in_dim3A_195 = vector.shape_cast %broadcast_in_dim3A_20 : vector<1x128xf32> to vector<1x1x128xf32>
    %sub3A_196 = vector.broadcast %broadcast_in_dim3A_195 : vector<1x1x128xf32> to vector<25x8x128xf32>
    %sub3A_197 = arith.subf %slice3A_194, %sub3A_196 : vector<25x8x128xf32>
    %mul3A_198 = arith.mulf %sub3A_197, %sub3A_197 : vector<25x8x128xf32>
    %add3A_199 = arith.addf %add3A_193, %mul3A_198 : vector<25x8x128xf32>
    %slice3A_200 = vector.extract_strided_slice %reshape3A {offsets = [0, 240, 0], sizes = [25, 8, 128], strides = [1, 1, 1]} : vector<25x520x128xf32> to vector<25x8x128xf32>
    %broadcast_in_dim3A_201 = vector.shape_cast %broadcast_in_dim3A_20 : vector<1x128xf32> to vector<1x1x128xf32>
    %sub3A_202 = vector.broadcast %broadcast_in_dim3A_201 : vector<1x1x128xf32> to vector<25x8x128xf32>
    %sub3A_203 = arith.subf %slice3A_200, %sub3A_202 : vector<25x8x128xf32>
    %mul3A_204 = arith.mulf %sub3A_203, %sub3A_203 : vector<25x8x128xf32>
    %add3A_205 = arith.addf %add3A_199, %mul3A_204 : vector<25x8x128xf32>
    %slice3A_206 = vector.extract_strided_slice %reshape3A {offsets = [0, 248, 0], sizes = [25, 8, 128], strides = [1, 1, 1]} : vector<25x520x128xf32> to vector<25x8x128xf32>
    %broadcast_in_dim3A_207 = vector.shape_cast %broadcast_in_dim3A_20 : vector<1x128xf32> to vector<1x1x128xf32>
    %sub3A_208 = vector.broadcast %broadcast_in_dim3A_207 : vector<1x1x128xf32> to vector<25x8x128xf32>
    %sub3A_209 = arith.subf %slice3A_206, %sub3A_208 : vector<25x8x128xf32>
    %mul3A_210 = arith.mulf %sub3A_209, %sub3A_209 : vector<25x8x128xf32>
    %add3A_211 = arith.addf %add3A_205, %mul3A_210 : vector<25x8x128xf32>
    %slice3A_212 = vector.extract_strided_slice %reshape3A {offsets = [0, 256, 0], sizes = [25, 8, 128], strides = [1, 1, 1]} : vector<25x520x128xf32> to vector<25x8x128xf32>
    %broadcast_in_dim3A_213 = vector.shape_cast %broadcast_in_dim3A_20 : vector<1x128xf32> to vector<1x1x128xf32>
    %sub3A_214 = vector.broadcast %broadcast_in_dim3A_213 : vector<1x1x128xf32> to vector<25x8x128xf32>
    %sub3A_215 = arith.subf %slice3A_212, %sub3A_214 : vector<25x8x128xf32>
    %mul3A_216 = arith.mulf %sub3A_215, %sub3A_215 : vector<25x8x128xf32>
    %add3A_217 = arith.addf %add3A_211, %mul3A_216 : vector<25x8x128xf32>
    %slice3A_218 = vector.extract_strided_slice %reshape3A {offsets = [0, 264, 0], sizes = [25, 8, 128], strides = [1, 1, 1]} : vector<25x520x128xf32> to vector<25x8x128xf32>
    %broadcast_in_dim3A_219 = vector.shape_cast %broadcast_in_dim3A_20 : vector<1x128xf32> to vector<1x1x128xf32>
    %sub3A_220 = vector.broadcast %broadcast_in_dim3A_219 : vector<1x1x128xf32> to vector<25x8x128xf32>
    %sub3A_221 = arith.subf %slice3A_218, %sub3A_220 : vector<25x8x128xf32>
    %mul3A_222 = arith.mulf %sub3A_221, %sub3A_221 : vector<25x8x128xf32>
    %add3A_223 = arith.addf %add3A_217, %mul3A_222 : vector<25x8x128xf32>
    %slice3A_224 = vector.extract_strided_slice %reshape3A {offsets = [0, 272, 0], sizes = [25, 8, 128], strides = [1, 1, 1]} : vector<25x520x128xf32> to vector<25x8x128xf32>
    %broadcast_in_dim3A_225 = vector.shape_cast %broadcast_in_dim3A_20 : vector<1x128xf32> to vector<1x1x128xf32>
    %sub3A_226 = vector.broadcast %broadcast_in_dim3A_225 : vector<1x1x128xf32> to vector<25x8x128xf32>
    %sub3A_227 = arith.subf %slice3A_224, %sub3A_226 : vector<25x8x128xf32>
    %mul3A_228 = arith.mulf %sub3A_227, %sub3A_227 : vector<25x8x128xf32>
    %add3A_229 = arith.addf %add3A_223, %mul3A_228 : vector<25x8x128xf32>
    %slice3A_230 = vector.extract_strided_slice %reshape3A {offsets = [0, 280, 0], sizes = [25, 8, 128], strides = [1, 1, 1]} : vector<25x520x128xf32> to vector<25x8x128xf32>
    %broadcast_in_dim3A_231 = vector.shape_cast %broadcast_in_dim3A_20 : vector<1x128xf32> to vector<1x1x128xf32>
    %sub3A_232 = vector.broadcast %broadcast_in_dim3A_231 : vector<1x1x128xf32> to vector<25x8x128xf32>
    %sub3A_233 = arith.subf %slice3A_230, %sub3A_232 : vector<25x8x128xf32>
    %mul3A_234 = arith.mulf %sub3A_233, %sub3A_233 : vector<25x8x128xf32>
    %add3A_235 = arith.addf %add3A_229, %mul3A_234 : vector<25x8x128xf32>
    %slice3A_236 = vector.extract_strided_slice %reshape3A {offsets = [0, 288, 0], sizes = [25, 8, 128], strides = [1, 1, 1]} : vector<25x520x128xf32> to vector<25x8x128xf32>
    %broadcast_in_dim3A_237 = vector.shape_cast %broadcast_in_dim3A_20 : vector<1x128xf32> to vector<1x1x128xf32>
    %sub3A_238 = vector.broadcast %broadcast_in_dim3A_237 : vector<1x1x128xf32> to vector<25x8x128xf32>
    %sub3A_239 = arith.subf %slice3A_236, %sub3A_238 : vector<25x8x128xf32>
    %mul3A_240 = arith.mulf %sub3A_239, %sub3A_239 : vector<25x8x128xf32>
    %add3A_241 = arith.addf %add3A_235, %mul3A_240 : vector<25x8x128xf32>
    %slice3A_242 = vector.extract_strided_slice %reshape3A {offsets = [0, 296, 0], sizes = [25, 8, 128], strides = [1, 1, 1]} : vector<25x520x128xf32> to vector<25x8x128xf32>
    %broadcast_in_dim3A_243 = vector.shape_cast %broadcast_in_dim3A_20 : vector<1x128xf32> to vector<1x1x128xf32>
    %sub3A_244 = vector.broadcast %broadcast_in_dim3A_243 : vector<1x1x128xf32> to vector<25x8x128xf32>
    %sub3A_245 = arith.subf %slice3A_242, %sub3A_244 : vector<25x8x128xf32>
    %mul3A_246 = arith.mulf %sub3A_245, %sub3A_245 : vector<25x8x128xf32>
    %add3A_247 = arith.addf %add3A_241, %mul3A_246 : vector<25x8x128xf32>
    %slice3A_248 = vector.extract_strided_slice %reshape3A {offsets = [0, 304, 0], sizes = [25, 8, 128], strides = [1, 1, 1]} : vector<25x520x128xf32> to vector<25x8x128xf32>
    %broadcast_in_dim3A_249 = vector.shape_cast %broadcast_in_dim3A_20 : vector<1x128xf32> to vector<1x1x128xf32>
    %sub3A_250 = vector.broadcast %broadcast_in_dim3A_249 : vector<1x1x128xf32> to vector<25x8x128xf32>
    %sub3A_251 = arith.subf %slice3A_248, %sub3A_250 : vector<25x8x128xf32>
    %mul3A_252 = arith.mulf %sub3A_251, %sub3A_251 : vector<25x8x128xf32>
    %add3A_253 = arith.addf %add3A_247, %mul3A_252 : vector<25x8x128xf32>
    %slice3A_254 = vector.extract_strided_slice %reshape3A {offsets = [0, 312, 0], sizes = [25, 8, 128], strides = [1, 1, 1]} : vector<25x520x128xf32> to vector<25x8x128xf32>
    %broadcast_in_dim3A_255 = vector.shape_cast %broadcast_in_dim3A_20 : vector<1x128xf32> to vector<1x1x128xf32>
    %sub3A_256 = vector.broadcast %broadcast_in_dim3A_255 : vector<1x1x128xf32> to vector<25x8x128xf32>
    %sub3A_257 = arith.subf %slice3A_254, %sub3A_256 : vector<25x8x128xf32>
    %mul3A_258 = arith.mulf %sub3A_257, %sub3A_257 : vector<25x8x128xf32>
    %add3A_259 = arith.addf %add3A_253, %mul3A_258 : vector<25x8x128xf32>
    %slice3A_260 = vector.extract_strided_slice %reshape3A {offsets = [0, 320, 0], sizes = [25, 8, 128], strides = [1, 1, 1]} : vector<25x520x128xf32> to vector<25x8x128xf32>
    %broadcast_in_dim3A_261 = vector.shape_cast %broadcast_in_dim3A_20 : vector<1x128xf32> to vector<1x1x128xf32>
    %sub3A_262 = vector.broadcast %broadcast_in_dim3A_261 : vector<1x1x128xf32> to vector<25x8x128xf32>
    %sub3A_263 = arith.subf %slice3A_260, %sub3A_262 : vector<25x8x128xf32>
    %mul3A_264 = arith.mulf %sub3A_263, %sub3A_263 : vector<25x8x128xf32>
    %add3A_265 = arith.addf %add3A_259, %mul3A_264 : vector<25x8x128xf32>
    %slice3A_266 = vector.extract_strided_slice %reshape3A {offsets = [0, 328, 0], sizes = [25, 8, 128], strides = [1, 1, 1]} : vector<25x520x128xf32> to vector<25x8x128xf32>
    %broadcast_in_dim3A_267 = vector.shape_cast %broadcast_in_dim3A_20 : vector<1x128xf32> to vector<1x1x128xf32>
    %sub3A_268 = vector.broadcast %broadcast_in_dim3A_267 : vector<1x1x128xf32> to vector<25x8x128xf32>
    %sub3A_269 = arith.subf %slice3A_266, %sub3A_268 : vector<25x8x128xf32>
    %mul3A_270 = arith.mulf %sub3A_269, %sub3A_269 : vector<25x8x128xf32>
    %add3A_271 = arith.addf %add3A_265, %mul3A_270 : vector<25x8x128xf32>
    %slice3A_272 = vector.extract_strided_slice %reshape3A {offsets = [0, 336, 0], sizes = [25, 8, 128], strides = [1, 1, 1]} : vector<25x520x128xf32> to vector<25x8x128xf32>
    %broadcast_in_dim3A_273 = vector.shape_cast %broadcast_in_dim3A_20 : vector<1x128xf32> to vector<1x1x128xf32>
    %sub3A_274 = vector.broadcast %broadcast_in_dim3A_273 : vector<1x1x128xf32> to vector<25x8x128xf32>
    %sub3A_275 = arith.subf %slice3A_272, %sub3A_274 : vector<25x8x128xf32>
    %mul3A_276 = arith.mulf %sub3A_275, %sub3A_275 : vector<25x8x128xf32>
    %add3A_277 = arith.addf %add3A_271, %mul3A_276 : vector<25x8x128xf32>
    %slice3A_278 = vector.extract_strided_slice %reshape3A {offsets = [0, 344, 0], sizes = [25, 8, 128], strides = [1, 1, 1]} : vector<25x520x128xf32> to vector<25x8x128xf32>
    %broadcast_in_dim3A_279 = vector.shape_cast %broadcast_in_dim3A_20 : vector<1x128xf32> to vector<1x1x128xf32>
    %sub3A_280 = vector.broadcast %broadcast_in_dim3A_279 : vector<1x1x128xf32> to vector<25x8x128xf32>
    %sub3A_281 = arith.subf %slice3A_278, %sub3A_280 : vector<25x8x128xf32>
    %mul3A_282 = arith.mulf %sub3A_281, %sub3A_281 : vector<25x8x128xf32>
    %add3A_283 = arith.addf %add3A_277, %mul3A_282 : vector<25x8x128xf32>
    %slice3A_284 = vector.extract_strided_slice %reshape3A {offsets = [0, 352, 0], sizes = [25, 8, 128], strides = [1, 1, 1]} : vector<25x520x128xf32> to vector<25x8x128xf32>
    %broadcast_in_dim3A_285 = vector.shape_cast %broadcast_in_dim3A_20 : vector<1x128xf32> to vector<1x1x128xf32>
    %sub3A_286 = vector.broadcast %broadcast_in_dim3A_285 : vector<1x1x128xf32> to vector<25x8x128xf32>
    %sub3A_287 = arith.subf %slice3A_284, %sub3A_286 : vector<25x8x128xf32>
    %mul3A_288 = arith.mulf %sub3A_287, %sub3A_287 : vector<25x8x128xf32>
    %add3A_289 = arith.addf %add3A_283, %mul3A_288 : vector<25x8x128xf32>
    %slice3A_290 = vector.extract_strided_slice %reshape3A {offsets = [0, 360, 0], sizes = [25, 8, 128], strides = [1, 1, 1]} : vector<25x520x128xf32> to vector<25x8x128xf32>
    %broadcast_in_dim3A_291 = vector.shape_cast %broadcast_in_dim3A_20 : vector<1x128xf32> to vector<1x1x128xf32>
    %sub3A_292 = vector.broadcast %broadcast_in_dim3A_291 : vector<1x1x128xf32> to vector<25x8x128xf32>
    %sub3A_293 = arith.subf %slice3A_290, %sub3A_292 : vector<25x8x128xf32>
    %mul3A_294 = arith.mulf %sub3A_293, %sub3A_293 : vector<25x8x128xf32>
    %add3A_295 = arith.addf %add3A_289, %mul3A_294 : vector<25x8x128xf32>
    %slice3A_296 = vector.extract_strided_slice %reshape3A {offsets = [0, 368, 0], sizes = [25, 8, 128], strides = [1, 1, 1]} : vector<25x520x128xf32> to vector<25x8x128xf32>
    %broadcast_in_dim3A_297 = vector.shape_cast %broadcast_in_dim3A_20 : vector<1x128xf32> to vector<1x1x128xf32>
    %sub3A_298 = vector.broadcast %broadcast_in_dim3A_297 : vector<1x1x128xf32> to vector<25x8x128xf32>
    %sub3A_299 = arith.subf %slice3A_296, %sub3A_298 : vector<25x8x128xf32>
    %mul3A_300 = arith.mulf %sub3A_299, %sub3A_299 : vector<25x8x128xf32>
    %add3A_301 = arith.addf %add3A_295, %mul3A_300 : vector<25x8x128xf32>
    %slice3A_302 = vector.extract_strided_slice %reshape3A {offsets = [0, 376, 0], sizes = [25, 8, 128], strides = [1, 1, 1]} : vector<25x520x128xf32> to vector<25x8x128xf32>
    %broadcast_in_dim3A_303 = vector.shape_cast %broadcast_in_dim3A_20 : vector<1x128xf32> to vector<1x1x128xf32>
    %sub3A_304 = vector.broadcast %broadcast_in_dim3A_303 : vector<1x1x128xf32> to vector<25x8x128xf32>
    %sub3A_305 = arith.subf %slice3A_302, %sub3A_304 : vector<25x8x128xf32>
    %mul3A_306 = arith.mulf %sub3A_305, %sub3A_305 : vector<25x8x128xf32>
    %add3A_307 = arith.addf %add3A_301, %mul3A_306 : vector<25x8x128xf32>
    %slice3A_308 = vector.extract_strided_slice %reshape3A {offsets = [0, 384, 0], sizes = [25, 8, 128], strides = [1, 1, 1]} : vector<25x520x128xf32> to vector<25x8x128xf32>
    %broadcast_in_dim3A_309 = vector.shape_cast %broadcast_in_dim3A_20 : vector<1x128xf32> to vector<1x1x128xf32>
    %sub3A_310 = vector.broadcast %broadcast_in_dim3A_309 : vector<1x1x128xf32> to vector<25x8x128xf32>
    %sub3A_311 = arith.subf %slice3A_308, %sub3A_310 : vector<25x8x128xf32>
    %mul3A_312 = arith.mulf %sub3A_311, %sub3A_311 : vector<25x8x128xf32>
    %add3A_313 = arith.addf %add3A_307, %mul3A_312 : vector<25x8x128xf32>
    %slice3A_314 = vector.extract_strided_slice %reshape3A {offsets = [0, 392, 0], sizes = [25, 8, 128], strides = [1, 1, 1]} : vector<25x520x128xf32> to vector<25x8x128xf32>
    %broadcast_in_dim3A_315 = vector.shape_cast %broadcast_in_dim3A_20 : vector<1x128xf32> to vector<1x1x128xf32>
    %sub3A_316 = vector.broadcast %broadcast_in_dim3A_315 : vector<1x1x128xf32> to vector<25x8x128xf32>
    %sub3A_317 = arith.subf %slice3A_314, %sub3A_316 : vector<25x8x128xf32>
    %mul3A_318 = arith.mulf %sub3A_317, %sub3A_317 : vector<25x8x128xf32>
    %add3A_319 = arith.addf %add3A_313, %mul3A_318 : vector<25x8x128xf32>
    %slice3A_320 = vector.extract_strided_slice %reshape3A {offsets = [0, 400, 0], sizes = [25, 8, 128], strides = [1, 1, 1]} : vector<25x520x128xf32> to vector<25x8x128xf32>
    %broadcast_in_dim3A_321 = vector.shape_cast %broadcast_in_dim3A_20 : vector<1x128xf32> to vector<1x1x128xf32>
    %sub3A_322 = vector.broadcast %broadcast_in_dim3A_321 : vector<1x1x128xf32> to vector<25x8x128xf32>
    %sub3A_323 = arith.subf %slice3A_320, %sub3A_322 : vector<25x8x128xf32>
    %mul3A_324 = arith.mulf %sub3A_323, %sub3A_323 : vector<25x8x128xf32>
    %add3A_325 = arith.addf %add3A_319, %mul3A_324 : vector<25x8x128xf32>
    %slice3A_326 = vector.extract_strided_slice %reshape3A {offsets = [0, 408, 0], sizes = [25, 8, 128], strides = [1, 1, 1]} : vector<25x520x128xf32> to vector<25x8x128xf32>
    %broadcast_in_dim3A_327 = vector.shape_cast %broadcast_in_dim3A_20 : vector<1x128xf32> to vector<1x1x128xf32>
    %sub3A_328 = vector.broadcast %broadcast_in_dim3A_327 : vector<1x1x128xf32> to vector<25x8x128xf32>
    %sub3A_329 = arith.subf %slice3A_326, %sub3A_328 : vector<25x8x128xf32>
    %mul3A_330 = arith.mulf %sub3A_329, %sub3A_329 : vector<25x8x128xf32>
    %add3A_331 = arith.addf %add3A_325, %mul3A_330 : vector<25x8x128xf32>
    %slice3A_332 = vector.extract_strided_slice %reshape3A {offsets = [0, 416, 0], sizes = [25, 8, 128], strides = [1, 1, 1]} : vector<25x520x128xf32> to vector<25x8x128xf32>
    %broadcast_in_dim3A_333 = vector.shape_cast %broadcast_in_dim3A_20 : vector<1x128xf32> to vector<1x1x128xf32>
    %sub3A_334 = vector.broadcast %broadcast_in_dim3A_333 : vector<1x1x128xf32> to vector<25x8x128xf32>
    %sub3A_335 = arith.subf %slice3A_332, %sub3A_334 : vector<25x8x128xf32>
    %mul3A_336 = arith.mulf %sub3A_335, %sub3A_335 : vector<25x8x128xf32>
    %add3A_337 = arith.addf %add3A_331, %mul3A_336 : vector<25x8x128xf32>
    %slice3A_338 = vector.extract_strided_slice %reshape3A {offsets = [0, 424, 0], sizes = [25, 8, 128], strides = [1, 1, 1]} : vector<25x520x128xf32> to vector<25x8x128xf32>
    %broadcast_in_dim3A_339 = vector.shape_cast %broadcast_in_dim3A_20 : vector<1x128xf32> to vector<1x1x128xf32>
    %sub3A_340 = vector.broadcast %broadcast_in_dim3A_339 : vector<1x1x128xf32> to vector<25x8x128xf32>
    %sub3A_341 = arith.subf %slice3A_338, %sub3A_340 : vector<25x8x128xf32>
    %mul3A_342 = arith.mulf %sub3A_341, %sub3A_341 : vector<25x8x128xf32>
    %add3A_343 = arith.addf %add3A_337, %mul3A_342 : vector<25x8x128xf32>
    %slice3A_344 = vector.extract_strided_slice %reshape3A {offsets = [0, 432, 0], sizes = [25, 8, 128], strides = [1, 1, 1]} : vector<25x520x128xf32> to vector<25x8x128xf32>
    %broadcast_in_dim3A_345 = vector.shape_cast %broadcast_in_dim3A_20 : vector<1x128xf32> to vector<1x1x128xf32>
    %sub3A_346 = vector.broadcast %broadcast_in_dim3A_345 : vector<1x1x128xf32> to vector<25x8x128xf32>
    %sub3A_347 = arith.subf %slice3A_344, %sub3A_346 : vector<25x8x128xf32>
    %mul3A_348 = arith.mulf %sub3A_347, %sub3A_347 : vector<25x8x128xf32>
    %add3A_349 = arith.addf %add3A_343, %mul3A_348 : vector<25x8x128xf32>
    %slice3A_350 = vector.extract_strided_slice %reshape3A {offsets = [0, 440, 0], sizes = [25, 8, 128], strides = [1, 1, 1]} : vector<25x520x128xf32> to vector<25x8x128xf32>
    %broadcast_in_dim3A_351 = vector.shape_cast %broadcast_in_dim3A_20 : vector<1x128xf32> to vector<1x1x128xf32>
    %sub3A_352 = vector.broadcast %broadcast_in_dim3A_351 : vector<1x1x128xf32> to vector<25x8x128xf32>
    %sub3A_353 = arith.subf %slice3A_350, %sub3A_352 : vector<25x8x128xf32>
    %mul3A_354 = arith.mulf %sub3A_353, %sub3A_353 : vector<25x8x128xf32>
    %add3A_355 = arith.addf %add3A_349, %mul3A_354 : vector<25x8x128xf32>
    %slice3A_356 = vector.extract_strided_slice %reshape3A {offsets = [0, 448, 0], sizes = [25, 8, 128], strides = [1, 1, 1]} : vector<25x520x128xf32> to vector<25x8x128xf32>
    %broadcast_in_dim3A_357 = vector.shape_cast %broadcast_in_dim3A_20 : vector<1x128xf32> to vector<1x1x128xf32>
    %sub3A_358 = vector.broadcast %broadcast_in_dim3A_357 : vector<1x1x128xf32> to vector<25x8x128xf32>
    %sub3A_359 = arith.subf %slice3A_356, %sub3A_358 : vector<25x8x128xf32>
    %mul3A_360 = arith.mulf %sub3A_359, %sub3A_359 : vector<25x8x128xf32>
    %add3A_361 = arith.addf %add3A_355, %mul3A_360 : vector<25x8x128xf32>
    %slice3A_362 = vector.extract_strided_slice %reshape3A {offsets = [0, 456, 0], sizes = [25, 8, 128], strides = [1, 1, 1]} : vector<25x520x128xf32> to vector<25x8x128xf32>
    %broadcast_in_dim3A_363 = vector.shape_cast %broadcast_in_dim3A_20 : vector<1x128xf32> to vector<1x1x128xf32>
    %sub3A_364 = vector.broadcast %broadcast_in_dim3A_363 : vector<1x1x128xf32> to vector<25x8x128xf32>
    %sub3A_365 = arith.subf %slice3A_362, %sub3A_364 : vector<25x8x128xf32>
    %mul3A_366 = arith.mulf %sub3A_365, %sub3A_365 : vector<25x8x128xf32>
    %add3A_367 = arith.addf %add3A_361, %mul3A_366 : vector<25x8x128xf32>
    %slice3A_368 = vector.extract_strided_slice %reshape3A {offsets = [0, 464, 0], sizes = [25, 8, 128], strides = [1, 1, 1]} : vector<25x520x128xf32> to vector<25x8x128xf32>
    %broadcast_in_dim3A_369 = vector.shape_cast %broadcast_in_dim3A_20 : vector<1x128xf32> to vector<1x1x128xf32>
    %sub3A_370 = vector.broadcast %broadcast_in_dim3A_369 : vector<1x1x128xf32> to vector<25x8x128xf32>
    %sub3A_371 = arith.subf %slice3A_368, %sub3A_370 : vector<25x8x128xf32>
    %mul3A_372 = arith.mulf %sub3A_371, %sub3A_371 : vector<25x8x128xf32>
    %add3A_373 = arith.addf %add3A_367, %mul3A_372 : vector<25x8x128xf32>
    %slice3A_374 = vector.extract_strided_slice %reshape3A {offsets = [0, 472, 0], sizes = [25, 8, 128], strides = [1, 1, 1]} : vector<25x520x128xf32> to vector<25x8x128xf32>
    %broadcast_in_dim3A_375 = vector.shape_cast %broadcast_in_dim3A_20 : vector<1x128xf32> to vector<1x1x128xf32>
    %sub3A_376 = vector.broadcast %broadcast_in_dim3A_375 : vector<1x1x128xf32> to vector<25x8x128xf32>
    %sub3A_377 = arith.subf %slice3A_374, %sub3A_376 : vector<25x8x128xf32>
    %mul3A_378 = arith.mulf %sub3A_377, %sub3A_377 : vector<25x8x128xf32>
    %add3A_379 = arith.addf %add3A_373, %mul3A_378 : vector<25x8x128xf32>
    %slice3A_380 = vector.extract_strided_slice %reshape3A {offsets = [0, 480, 0], sizes = [25, 8, 128], strides = [1, 1, 1]} : vector<25x520x128xf32> to vector<25x8x128xf32>
    %broadcast_in_dim3A_381 = vector.shape_cast %broadcast_in_dim3A_20 : vector<1x128xf32> to vector<1x1x128xf32>
    %sub3A_382 = vector.broadcast %broadcast_in_dim3A_381 : vector<1x1x128xf32> to vector<25x8x128xf32>
    %sub3A_383 = arith.subf %slice3A_380, %sub3A_382 : vector<25x8x128xf32>
    %mul3A_384 = arith.mulf %sub3A_383, %sub3A_383 : vector<25x8x128xf32>
    %add3A_385 = arith.addf %add3A_379, %mul3A_384 : vector<25x8x128xf32>
    %slice3A_386 = vector.extract_strided_slice %reshape3A {offsets = [0, 488, 0], sizes = [25, 8, 128], strides = [1, 1, 1]} : vector<25x520x128xf32> to vector<25x8x128xf32>
    %broadcast_in_dim3A_387 = vector.shape_cast %broadcast_in_dim3A_20 : vector<1x128xf32> to vector<1x1x128xf32>
    %sub3A_388 = vector.broadcast %broadcast_in_dim3A_387 : vector<1x1x128xf32> to vector<25x8x128xf32>
    %sub3A_389 = arith.subf %slice3A_386, %sub3A_388 : vector<25x8x128xf32>
    %mul3A_390 = arith.mulf %sub3A_389, %sub3A_389 : vector<25x8x128xf32>
    %add3A_391 = arith.addf %add3A_385, %mul3A_390 : vector<25x8x128xf32>
    %slice3A_392 = vector.extract_strided_slice %reshape3A {offsets = [0, 496, 0], sizes = [25, 8, 128], strides = [1, 1, 1]} : vector<25x520x128xf32> to vector<25x8x128xf32>
    %broadcast_in_dim3A_393 = vector.shape_cast %broadcast_in_dim3A_20 : vector<1x128xf32> to vector<1x1x128xf32>
    %sub3A_394 = vector.broadcast %broadcast_in_dim3A_393 : vector<1x1x128xf32> to vector<25x8x128xf32>
    %sub3A_395 = arith.subf %slice3A_392, %sub3A_394 : vector<25x8x128xf32>
    %mul3A_396 = arith.mulf %sub3A_395, %sub3A_395 : vector<25x8x128xf32>
    %add3A_397 = arith.addf %add3A_391, %mul3A_396 : vector<25x8x128xf32>
    %slice3A_398 = vector.extract_strided_slice %reshape3A {offsets = [0, 504, 0], sizes = [25, 8, 128], strides = [1, 1, 1]} : vector<25x520x128xf32> to vector<25x8x128xf32>
    %broadcast_in_dim3A_399 = vector.shape_cast %broadcast_in_dim3A_20 : vector<1x128xf32> to vector<1x1x128xf32>
    %sub3A_400 = vector.broadcast %broadcast_in_dim3A_399 : vector<1x1x128xf32> to vector<25x8x128xf32>
    %sub3A_401 = arith.subf %slice3A_398, %sub3A_400 : vector<25x8x128xf32>
    %mul3A_402 = arith.mulf %sub3A_401, %sub3A_401 : vector<25x8x128xf32>
    %add3A_403 = arith.addf %add3A_397, %mul3A_402 : vector<25x8x128xf32>
    %slice3A_404 = vector.extract_strided_slice %reshape3A {offsets = [0, 512, 0], sizes = [25, 8, 128], strides = [1, 1, 1]} : vector<25x520x128xf32> to vector<25x8x128xf32>
    %broadcast_in_dim3A_405 = vector.shape_cast %broadcast_in_dim3A_20 : vector<1x128xf32> to vector<1x1x128xf32>
    %sub3A_406 = vector.broadcast %broadcast_in_dim3A_405 : vector<1x1x128xf32> to vector<25x8x128xf32>
    %sub3A_407 = arith.subf %slice3A_404, %sub3A_406 : vector<25x8x128xf32>
    %mul3A_408 = arith.mulf %sub3A_407, %sub3A_407 : vector<25x8x128xf32>
    %add3A_409 = arith.addf %add3A_403, %mul3A_408 : vector<25x8x128xf32>
    %slice3A_410 = vector.extract_strided_slice %add3A_409 {offsets = [24, 0, 0], sizes = [1, 8, 128], strides = [1, 1, 1]} : vector<25x8x128xf32> to vector<1x8x128xf32>
    %slice3A_411 = vector.extract_strided_slice %add3A_409 {offsets = [0, 0, 0], sizes = [12, 8, 128], strides = [1, 1, 1]} : vector<25x8x128xf32> to vector<12x8x128xf32>
    %slice3A_412 = vector.extract_strided_slice %add3A_409 {offsets = [12, 0, 0], sizes = [12, 8, 128], strides = [1, 1, 1]} : vector<25x8x128xf32> to vector<12x8x128xf32>
    %add3A_413 = arith.addf %slice3A_411, %slice3A_412 : vector<12x8x128xf32>
    %concatenate3A = tpu.concatenate %add3A_413, %slice3A_410 in 0 : vector<12x8x128xf32>, vector<1x8x128xf32> -> vector<13x8x128xf32>
    %slice3A_414 = vector.extract_strided_slice %concatenate3A {offsets = [12, 0, 0], sizes = [1, 8, 128], strides = [1, 1, 1]} : vector<13x8x128xf32> to vector<1x8x128xf32>
    %slice3A_415 = vector.extract_strided_slice %concatenate3A {offsets = [0, 0, 0], sizes = [6, 8, 128], strides = [1, 1, 1]} : vector<13x8x128xf32> to vector<6x8x128xf32>
    %slice3A_416 = vector.extract_strided_slice %concatenate3A {offsets = [6, 0, 0], sizes = [6, 8, 128], strides = [1, 1, 1]} : vector<13x8x128xf32> to vector<6x8x128xf32>
    %add3A_417 = arith.addf %slice3A_415, %slice3A_416 : vector<6x8x128xf32>
    %concatenate3A_418 = tpu.concatenate %add3A_417, %slice3A_414 in 0 : vector<6x8x128xf32>, vector<1x8x128xf32> -> vector<7x8x128xf32>
    %slice3A_419 = vector.extract_strided_slice %concatenate3A_418 {offsets = [6, 0, 0], sizes = [1, 8, 128], strides = [1, 1, 1]} : vector<7x8x128xf32> to vector<1x8x128xf32>
    %slice3A_420 = vector.extract_strided_slice %concatenate3A_418 {offsets = [0, 0, 0], sizes = [3, 8, 128], strides = [1, 1, 1]} : vector<7x8x128xf32> to vector<3x8x128xf32>
    %slice3A_421 = vector.extract_strided_slice %concatenate3A_418 {offsets = [3, 0, 0], sizes = [3, 8, 128], strides = [1, 1, 1]} : vector<7x8x128xf32> to vector<3x8x128xf32>
    %add3A_422 = arith.addf %slice3A_420, %slice3A_421 : vector<3x8x128xf32>
    %concatenate3A_423 = tpu.concatenate %add3A_422, %slice3A_419 in 0 : vector<3x8x128xf32>, vector<1x8x128xf32> -> vector<4x8x128xf32>
    %slice3A_424 = vector.extract_strided_slice %concatenate3A_423 {offsets = [0, 0, 0], sizes = [2, 8, 128], strides = [1, 1, 1]} : vector<4x8x128xf32> to vector<2x8x128xf32>
    %slice3A_425 = vector.extract_strided_slice %concatenate3A_423 {offsets = [2, 0, 0], sizes = [2, 8, 128], strides = [1, 1, 1]} : vector<4x8x128xf32> to vector<2x8x128xf32>
    %add3A_426 = arith.addf %slice3A_424, %slice3A_425 : vector<2x8x128xf32>
    %slice3A_427 = vector.extract_strided_slice %add3A_426 {offsets = [0, 0, 0], sizes = [1, 8, 128], strides = [1, 1, 1]} : vector<2x8x128xf32> to vector<1x8x128xf32>
    %slice3A_428 = vector.extract_strided_slice %add3A_426 {offsets = [1, 0, 0], sizes = [1, 8, 128], strides = [1, 1, 1]} : vector<2x8x128xf32> to vector<1x8x128xf32>
    %add3A_429 = arith.addf %slice3A_427, %slice3A_428 : vector<1x8x128xf32>
    %get3A_430 = arith.constant 0 : index
    %get3A_431 = arith.constant 0 : index
    %get3A_432 = vector.load %arg4[%get3A_430, %get3A_431] : memref<8x128xf32, #tpu.memory_space<vmem>>, vector<8x128xf32>
    %squeeze3A = vector.shape_cast %add3A_429 : vector<1x8x128xf32> to vector<8x128xf32>
    %add3A_433 = arith.addf %get3A_432, %squeeze3A : vector<8x128xf32>
    %swap3A = arith.constant 0 : index
    %swap3A_434 = arith.constant 0 : index
    %swap3A_435 = vector.load %arg4[%swap3A, %swap3A_434] : memref<8x128xf32, #tpu.memory_space<vmem>>, vector<8x128xf32>
    tpu.vector_store %arg4[%swap3A, %swap3A_434], %add3A_433 {strides = array<i32>} : memref<8x128xf32, #tpu.memory_space<vmem>>, vector<8x128xf32>,
    return
  }
  func.func @transform_0(%arg0: i32, %arg1: memref<1xi32, #tpu.memory_space<smem>>) -> (i32, i32) {
    %get3A = arith.constant 0 : index
    %get3A_0 = memref.load %arg1[%get3A] : memref<1xi32, #tpu.memory_space<smem>>
    %jit3A = arith.constant 8 : i32
    %div3A = arith.divsi %get3A_0, %jit3A : i32
    %sign3A = arith.constant 0 : i32
    %sign3A_1 = arith.cmpi sgt, %get3A_0, %sign3A : i32
    %sign3A_2 = arith.extui %sign3A_1 : i1 to i32
    %sign3A_3 = arith.constant 0 : i32
    %sign3A_4 = arith.cmpi slt, %get3A_0, %sign3A_3 : i32
    %sign3A_5 = arith.extui %sign3A_4 : i1 to i32
    %sign3A_6 = arith.subi %sign3A_2, %sign3A_5 : i32
    %sign3A_7 = arith.constant 0 : i32
    %sign3A_8 = arith.cmpi sgt, %jit3A, %sign3A_7 : i32
    %sign3A_9 = arith.extui %sign3A_8 : i1 to i32
    %sign3A_10 = arith.constant 0 : i32
    %sign3A_11 = arith.cmpi slt, %jit3A, %sign3A_10 : i32
    %sign3A_12 = arith.extui %sign3A_11 : i1 to i32
    %sign3A_13 = arith.subi %sign3A_9, %sign3A_12 : i32
    %ne3A = arith.cmpi ne, %sign3A_6, %sign3A_13 : i32
    %rem3A = arith.remsi %get3A_0, %jit3A : i32
    %ne3A_14 = arith.constant 0 : i32
    %ne3A_15 = arith.cmpi ne, %rem3A, %ne3A_14 : i32
    %and3A = arith.andi %ne3A, %ne3A_15 : i1
    %sub3A = arith.constant 1 : i32
    %sub3A_16 = arith.subi %div3A, %sub3A : i32
    %select_n3A = arith.select %and3A, %sub3A_16, %div3A : i32
    %c0_i32 = arith.constant 0 : i32
    %c0_i32_17 = arith.constant 0 : i32
    return %select_n3A, %c0_i32 : i32, i32
  }
  func.func @transform_1(%arg0: i32, %arg1: memref<1xi32, #tpu.memory_space<smem>>) -> (i32, i32) {
    %c0_i32 = arith.constant 0 : i32
    %c0_i32_0 = arith.constant 0 : i32
    return %arg0, %c0_i32 : i32, i32
  }
  func.func @transform_2(%arg0: i32, %arg1: memref<1xi32, #tpu.memory_space<smem>>) -> (i32, i32) {
    %c0_i32 = arith.constant 0 : i32
    %c0_i32_0 = arith.constant 0 : i32
    %c0_i32_1 = arith.constant 0 : i32
    return %c0_i32, %c0_i32_0 : i32, i32
  }
}

module attributes {stable_mosaic.version = 14 : i64} {
  func.func @_finish_body(%arg0: i32, %arg1: memref<1xi32, #tpu.memory_space<smem>>, %arg2: memref<8x128xf32, #tpu.memory_space<vmem>>, %arg3: memref<8x128xf32, #tpu.memory_space<vmem>>, %arg4: memref<64x128xf32, #tpu.memory_space<vmem>>, %arg5: memref<1x1xf32, #tpu.memory_space<smem>>) attributes {dimension_semantics = [#tpu.dimension_semantics<arbitrary>], iteration_bounds = array<i64: 1>, scalar_prefetch = 1 : i64, scratch_operands = 0 : i64, tpu.core_type = #tpu.core_type<tc>, window_params = [{transform_indices = @transform_0, window_bounds = array<i64: 8, 128>}, {pipeline_mode = #tpu.pipeline_mode<synchronous>, transform_indices = @transform_1, window_bounds = array<i64: 8, 128>}, {pipeline_mode = #tpu.pipeline_mode<synchronous>, transform_indices = @transform_2, window_bounds = array<i64: 64, 128>}, {transform_indices = @transform_3, window_bounds = array<i64: 1, 1>}]} {
    %get3A = arith.constant 0 : index
    %get3A_0 = memref.load %arg1[%get3A] : memref<1xi32, #tpu.memory_space<smem>>
    %jit3A = arith.constant 8 : i32
    %eq3A = arith.constant 0 : i32
    %eq3A_1 = arith.cmpi eq, %jit3A, %eq3A : i32
    %jit3A_2 = arith.constant 1 : i32
    %select_n3A = arith.select %eq3A_1, %jit3A_2, %jit3A : i32
    %rem3A = arith.remsi %get3A_0, %select_n3A : i32
    %ne3A = arith.constant 0 : i32
    %ne3A_3 = arith.cmpi ne, %rem3A, %ne3A : i32
    %lt3A = arith.constant 0 : i32
    %lt3A_4 = arith.cmpi slt, %rem3A, %lt3A : i32
    %lt3A_5 = arith.constant 0 : i32
    %lt3A_6 = arith.cmpi slt, %select_n3A, %lt3A_5 : i32
    %ne3A_7 = arith.xori %lt3A_4, %lt3A_6 : i1
    %and3A = arith.andi %ne3A_7, %ne3A_3 : i1
    %add3A = arith.addi %rem3A, %select_n3A : i32
    %select_n3A_8 = arith.select %and3A, %add3A, %rem3A : i32
    %iota3A = tpu.iota {dimensions = array<i32: 0>} : vector<8x128xi32>
    %eq3A_9 = vector.broadcast %select_n3A_8 : i32 to vector<8x128xi32>
    %eq3A_10 = arith.cmpi eq, %iota3A, %eq3A_9 : vector<8x128xi32>
    %get3A_11 = arith.constant 0 : index
    %get3A_12 = arith.constant 0 : index
    %get3A_13 = vector.load %arg2[%get3A_11, %get3A_12] : memref<8x128xf32, #tpu.memory_space<vmem>>, vector<8x128xf32>
    %jit3A_14 = arith.constant 0.000000e+00 : f32
    %broadcast_in_dim3A = vector.broadcast %jit3A_14 : f32 to vector<8x128xf32>
    %select_n3A_15 = arith.select %eq3A_10, %get3A_13, %broadcast_in_dim3A : vector<8x128xi1>, vector<8x128xf32>
    %reduce_sum3A = arith.constant dense<0.000000e+00> : vector<128xf32>
    %reduce_sum3A_16 = vector.multi_reduction <add>, %select_n3A_15, %reduce_sum3A [0] : vector<8x128xf32> to vector<128xf32>
    %broadcast_in_dim3A_17 = vector.shape_cast %reduce_sum3A_16 : vector<128xf32> to vector<1x128xf32>
    %get3A_18 = arith.constant 0 : index
    %get3A_19 = arith.constant 0 : index
    %get3A_20 = vector.load %arg4[%get3A_18, %get3A_19] : memref<64x128xf32, #tpu.memory_space<vmem>>, vector<64x128xf32>
    %reshape3A = vector.shape_cast %get3A_20 : vector<64x128xf32> to vector<32x2x128xf32>
    %slice3A = vector.extract_strided_slice %reshape3A {offsets = [0, 0, 0], sizes = [16, 2, 128], strides = [1, 1, 1]} : vector<32x2x128xf32> to vector<16x2x128xf32>
    %slice3A_21 = vector.extract_strided_slice %reshape3A {offsets = [16, 0, 0], sizes = [16, 2, 128], strides = [1, 1, 1]} : vector<32x2x128xf32> to vector<16x2x128xf32>
    %add3A_22 = arith.addf %slice3A, %slice3A_21 : vector<16x2x128xf32>
    %slice3A_23 = vector.extract_strided_slice %add3A_22 {offsets = [0, 0, 0], sizes = [8, 2, 128], strides = [1, 1, 1]} : vector<16x2x128xf32> to vector<8x2x128xf32>
    %slice3A_24 = vector.extract_strided_slice %add3A_22 {offsets = [8, 0, 0], sizes = [8, 2, 128], strides = [1, 1, 1]} : vector<16x2x128xf32> to vector<8x2x128xf32>
    %add3A_25 = arith.addf %slice3A_23, %slice3A_24 : vector<8x2x128xf32>
    %slice3A_26 = vector.extract_strided_slice %add3A_25 {offsets = [0, 0, 0], sizes = [4, 2, 128], strides = [1, 1, 1]} : vector<8x2x128xf32> to vector<4x2x128xf32>
    %slice3A_27 = vector.extract_strided_slice %add3A_25 {offsets = [4, 0, 0], sizes = [4, 2, 128], strides = [1, 1, 1]} : vector<8x2x128xf32> to vector<4x2x128xf32>
    %add3A_28 = arith.addf %slice3A_26, %slice3A_27 : vector<4x2x128xf32>
    %slice3A_29 = vector.extract_strided_slice %add3A_28 {offsets = [0, 0, 0], sizes = [2, 2, 128], strides = [1, 1, 1]} : vector<4x2x128xf32> to vector<2x2x128xf32>
    %slice3A_30 = vector.extract_strided_slice %add3A_28 {offsets = [2, 0, 0], sizes = [2, 2, 128], strides = [1, 1, 1]} : vector<4x2x128xf32> to vector<2x2x128xf32>
    %add3A_31 = arith.addf %slice3A_29, %slice3A_30 : vector<2x2x128xf32>
    %slice3A_32 = vector.extract_strided_slice %add3A_31 {offsets = [0, 0, 0], sizes = [1, 2, 128], strides = [1, 1, 1]} : vector<2x2x128xf32> to vector<1x2x128xf32>
    %slice3A_33 = vector.extract_strided_slice %add3A_31 {offsets = [1, 0, 0], sizes = [1, 2, 128], strides = [1, 1, 1]} : vector<2x2x128xf32> to vector<1x2x128xf32>
    %add3A_34 = arith.addf %slice3A_32, %slice3A_33 : vector<1x2x128xf32>
    %slice3A_35 = vector.extract_strided_slice %add3A_34 {offsets = [0, 0, 0], sizes = [1, 1, 128], strides = [1, 1, 1]} : vector<1x2x128xf32> to vector<1x1x128xf32>
    %squeeze3A = vector.shape_cast %slice3A_35 : vector<1x1x128xf32> to vector<1x128xf32>
    %slice3A_36 = vector.extract_strided_slice %add3A_34 {offsets = [0, 1, 0], sizes = [1, 1, 128], strides = [1, 1, 1]} : vector<1x2x128xf32> to vector<1x1x128xf32>
    %squeeze3A_37 = vector.shape_cast %slice3A_36 : vector<1x1x128xf32> to vector<1x128xf32>
    %mul3A = arith.constant 2.000000e+00 : f32
    %mul3A_38 = vector.broadcast %mul3A : f32 to vector<1x128xf32>
    %mul3A_39 = arith.mulf %mul3A_38, %broadcast_in_dim3A_17 : vector<1x128xf32>
    %mul3A_40 = arith.mulf %mul3A_39, %squeeze3A : vector<1x128xf32>
    %sub3A = arith.subf %squeeze3A_37, %mul3A_40 : vector<1x128xf32>
    %mul3A_41 = arith.constant 4.800000e+04 : f32
    %mul3A_42 = vector.broadcast %mul3A_41 : f32 to vector<1x128xf32>
    %mul3A_43 = arith.mulf %mul3A_42, %broadcast_in_dim3A_17 : vector<1x128xf32>
    %mul3A_44 = arith.mulf %mul3A_43, %broadcast_in_dim3A_17 : vector<1x128xf32>
    %add3A_45 = arith.addf %sub3A, %mul3A_44 : vector<1x128xf32>
    %get3A_46 = arith.constant 0 : index
    %get3A_47 = arith.constant 0 : index
    %get3A_48 = vector.load %arg3[%get3A_46, %get3A_47] : memref<8x128xf32, #tpu.memory_space<vmem>>, vector<8x128xf32>
    %reduce_sum3A_49 = arith.constant dense<0.000000e+00> : vector<128xf32>
    %reduce_sum3A_50 = vector.multi_reduction <add>, %get3A_48, %reduce_sum3A_49 [0] : vector<8x128xf32> to vector<128xf32>
    %broadcast_in_dim3A_51 = vector.shape_cast %reduce_sum3A_50 : vector<128xf32> to vector<1x128xf32>
    %add3A_52 = arith.addf %add3A_45, %broadcast_in_dim3A_51 : vector<1x128xf32>
    %max3A = arith.constant 0.000000e+00 : f32
    %max3A_53 = vector.broadcast %max3A : f32 to vector<1x128xf32>
    %max3A_54 = arith.maximumf %add3A_52, %max3A_53 : vector<1x128xf32>
    %sqrt3A = math.sqrt %max3A_54 : vector<1x128xf32>
    %iota3A_55 = tpu.iota {dimensions = array<i32: 1>} : vector<1x128xi32>
    %reduce_min3A = vector.shape_cast %sqrt3A : vector<1x128xf32> to vector<1x1x128xf32>
    %reduce_min3A_56 = arith.constant dense<0x7F800000> : vector<1xf32>
    %reduce_min3A_57 = vector.multi_reduction <minimumf>, %reduce_min3A, %reduce_min3A_56 [1, 2] : vector<1x1x128xf32> to vector<1xf32>
    %reduce_min3A_58 = vector.shape_cast %reduce_min3A_57 : vector<1xf32> to vector<1x1x1xf32>
    %reduce_min3A_59 = vector.extract %reduce_min3A_58[0, 0, 0] : f32 from vector<1x1x1xf32>
    %add3A_60 = arith.constant 0.000000e+00 : f32
    %add3A_61 = arith.addf %add3A_60, %reduce_min3A_59 : f32
    %eq3A_62 = vector.broadcast %reduce_min3A_59 : f32 to vector<1x128xf32>
    %eq3A_63 = arith.cmpf oeq, %sqrt3A, %eq3A_62 : vector<1x128xf32>
    %jit3A_64 = arith.constant 128 : i32
    %broadcast_in_dim3A_65 = vector.broadcast %jit3A_64 : i32 to vector<1x128xi32>
    %select_n3A_66 = arith.select %eq3A_63, %iota3A_55, %broadcast_in_dim3A_65 : vector<1x128xi1>, vector<1x128xi32>
    %reduce_min3A_67 = vector.shape_cast %select_n3A_66 : vector<1x128xi32> to vector<1x1x128xi32>
    %reduce_min3A_68 = arith.constant dense<2147483647> : vector<1xi32>
    %reduce_min3A_69 = vector.multi_reduction <minsi>, %reduce_min3A_67, %reduce_min3A_68 [1, 2] : vector<1x1x128xi32> to vector<1xi32>
    %reduce_min3A_70 = vector.shape_cast %reduce_min3A_69 : vector<1xi32> to vector<1x1x1xi32>
    %reduce_min3A_71 = vector.extract %reduce_min3A_70[0, 0, 0] : i32 from vector<1x1x1xi32>
    %eq3A_72 = vector.broadcast %reduce_min3A_71 : i32 to vector<1x128xi32>
    %eq3A_73 = arith.cmpi eq, %iota3A_55, %eq3A_72 : vector<1x128xi32>
    %jit3A_74 = arith.constant 0x7F800000 : f32
    %broadcast_in_dim3A_75 = vector.broadcast %jit3A_74 : f32 to vector<1x128xf32>
    %select_n3A_76 = arith.select %eq3A_73, %broadcast_in_dim3A_75, %sqrt3A : vector<1x128xi1>, vector<1x128xf32>
    %reduce_min3A_77 = vector.shape_cast %select_n3A_76 : vector<1x128xf32> to vector<1x1x128xf32>
    %reduce_min3A_78 = arith.constant dense<0x7F800000> : vector<1xf32>
    %reduce_min3A_79 = vector.multi_reduction <minimumf>, %reduce_min3A_77, %reduce_min3A_78 [1, 2] : vector<1x1x128xf32> to vector<1xf32>
    %reduce_min3A_80 = vector.shape_cast %reduce_min3A_79 : vector<1xf32> to vector<1x1x1xf32>
    %reduce_min3A_81 = vector.extract %reduce_min3A_80[0, 0, 0] : f32 from vector<1x1x1xf32>
    %add3A_82 = arith.addf %add3A_61, %reduce_min3A_81 : f32
    %eq3A_83 = vector.broadcast %reduce_min3A_81 : f32 to vector<1x128xf32>
    %eq3A_84 = arith.cmpf oeq, %select_n3A_76, %eq3A_83 : vector<1x128xf32>
    %jit3A_85 = arith.constant 128 : i32
    %broadcast_in_dim3A_86 = vector.broadcast %jit3A_85 : i32 to vector<1x128xi32>
    %select_n3A_87 = arith.select %eq3A_84, %iota3A_55, %broadcast_in_dim3A_86 : vector<1x128xi1>, vector<1x128xi32>
    %reduce_min3A_88 = vector.shape_cast %select_n3A_87 : vector<1x128xi32> to vector<1x1x128xi32>
    %reduce_min3A_89 = arith.constant dense<2147483647> : vector<1xi32>
    %reduce_min3A_90 = vector.multi_reduction <minsi>, %reduce_min3A_88, %reduce_min3A_89 [1, 2] : vector<1x1x128xi32> to vector<1xi32>
    %reduce_min3A_91 = vector.shape_cast %reduce_min3A_90 : vector<1xi32> to vector<1x1x1xi32>
    %reduce_min3A_92 = vector.extract %reduce_min3A_91[0, 0, 0] : i32 from vector<1x1x1xi32>
    %eq3A_93 = vector.broadcast %reduce_min3A_92 : i32 to vector<1x128xi32>
    %eq3A_94 = arith.cmpi eq, %iota3A_55, %eq3A_93 : vector<1x128xi32>
    %jit3A_95 = arith.constant 0x7F800000 : f32
    %broadcast_in_dim3A_96 = vector.broadcast %jit3A_95 : f32 to vector<1x128xf32>
    %select_n3A_97 = arith.select %eq3A_94, %broadcast_in_dim3A_96, %select_n3A_76 : vector<1x128xi1>, vector<1x128xf32>
    %reduce_min3A_98 = vector.shape_cast %select_n3A_97 : vector<1x128xf32> to vector<1x1x128xf32>
    %reduce_min3A_99 = arith.constant dense<0x7F800000> : vector<1xf32>
    %reduce_min3A_100 = vector.multi_reduction <minimumf>, %reduce_min3A_98, %reduce_min3A_99 [1, 2] : vector<1x1x128xf32> to vector<1xf32>
    %reduce_min3A_101 = vector.shape_cast %reduce_min3A_100 : vector<1xf32> to vector<1x1x1xf32>
    %reduce_min3A_102 = vector.extract %reduce_min3A_101[0, 0, 0] : f32 from vector<1x1x1xf32>
    %add3A_103 = arith.addf %add3A_82, %reduce_min3A_102 : f32
    %eq3A_104 = vector.broadcast %reduce_min3A_102 : f32 to vector<1x128xf32>
    %eq3A_105 = arith.cmpf oeq, %select_n3A_97, %eq3A_104 : vector<1x128xf32>
    %jit3A_106 = arith.constant 128 : i32
    %broadcast_in_dim3A_107 = vector.broadcast %jit3A_106 : i32 to vector<1x128xi32>
    %select_n3A_108 = arith.select %eq3A_105, %iota3A_55, %broadcast_in_dim3A_107 : vector<1x128xi1>, vector<1x128xi32>
    %reduce_min3A_109 = vector.shape_cast %select_n3A_108 : vector<1x128xi32> to vector<1x1x128xi32>
    %reduce_min3A_110 = arith.constant dense<2147483647> : vector<1xi32>
    %reduce_min3A_111 = vector.multi_reduction <minsi>, %reduce_min3A_109, %reduce_min3A_110 [1, 2] : vector<1x1x128xi32> to vector<1xi32>
    %reduce_min3A_112 = vector.shape_cast %reduce_min3A_111 : vector<1xi32> to vector<1x1x1xi32>
    %reduce_min3A_113 = vector.extract %reduce_min3A_112[0, 0, 0] : i32 from vector<1x1x1xi32>
    %eq3A_114 = vector.broadcast %reduce_min3A_113 : i32 to vector<1x128xi32>
    %eq3A_115 = arith.cmpi eq, %iota3A_55, %eq3A_114 : vector<1x128xi32>
    %jit3A_116 = arith.constant 0x7F800000 : f32
    %broadcast_in_dim3A_117 = vector.broadcast %jit3A_116 : f32 to vector<1x128xf32>
    %select_n3A_118 = arith.select %eq3A_115, %broadcast_in_dim3A_117, %select_n3A_97 : vector<1x128xi1>, vector<1x128xf32>
    %reduce_min3A_119 = vector.shape_cast %select_n3A_118 : vector<1x128xf32> to vector<1x1x128xf32>
    %reduce_min3A_120 = arith.constant dense<0x7F800000> : vector<1xf32>
    %reduce_min3A_121 = vector.multi_reduction <minimumf>, %reduce_min3A_119, %reduce_min3A_120 [1, 2] : vector<1x1x128xf32> to vector<1xf32>
    %reduce_min3A_122 = vector.shape_cast %reduce_min3A_121 : vector<1xf32> to vector<1x1x1xf32>
    %reduce_min3A_123 = vector.extract %reduce_min3A_122[0, 0, 0] : f32 from vector<1x1x1xf32>
    %add3A_124 = arith.addf %add3A_103, %reduce_min3A_123 : f32
    %eq3A_125 = vector.broadcast %reduce_min3A_123 : f32 to vector<1x128xf32>
    %eq3A_126 = arith.cmpf oeq, %select_n3A_118, %eq3A_125 : vector<1x128xf32>
    %jit3A_127 = arith.constant 128 : i32
    %broadcast_in_dim3A_128 = vector.broadcast %jit3A_127 : i32 to vector<1x128xi32>
    %select_n3A_129 = arith.select %eq3A_126, %iota3A_55, %broadcast_in_dim3A_128 : vector<1x128xi1>, vector<1x128xi32>
    %reduce_min3A_130 = vector.shape_cast %select_n3A_129 : vector<1x128xi32> to vector<1x1x128xi32>
    %reduce_min3A_131 = arith.constant dense<2147483647> : vector<1xi32>
    %reduce_min3A_132 = vector.multi_reduction <minsi>, %reduce_min3A_130, %reduce_min3A_131 [1, 2] : vector<1x1x128xi32> to vector<1xi32>
    %reduce_min3A_133 = vector.shape_cast %reduce_min3A_132 : vector<1xi32> to vector<1x1x1xi32>
    %reduce_min3A_134 = vector.extract %reduce_min3A_133[0, 0, 0] : i32 from vector<1x1x1xi32>
    %eq3A_135 = vector.broadcast %reduce_min3A_134 : i32 to vector<1x128xi32>
    %eq3A_136 = arith.cmpi eq, %iota3A_55, %eq3A_135 : vector<1x128xi32>
    %jit3A_137 = arith.constant 0x7F800000 : f32
    %broadcast_in_dim3A_138 = vector.broadcast %jit3A_137 : f32 to vector<1x128xf32>
    %select_n3A_139 = arith.select %eq3A_136, %broadcast_in_dim3A_138, %select_n3A_118 : vector<1x128xi1>, vector<1x128xf32>
    %reduce_min3A_140 = vector.shape_cast %select_n3A_139 : vector<1x128xf32> to vector<1x1x128xf32>
    %reduce_min3A_141 = arith.constant dense<0x7F800000> : vector<1xf32>
    %reduce_min3A_142 = vector.multi_reduction <minimumf>, %reduce_min3A_140, %reduce_min3A_141 [1, 2] : vector<1x1x128xf32> to vector<1xf32>
    %reduce_min3A_143 = vector.shape_cast %reduce_min3A_142 : vector<1xf32> to vector<1x1x1xf32>
    %reduce_min3A_144 = vector.extract %reduce_min3A_143[0, 0, 0] : f32 from vector<1x1x1xf32>
    %add3A_145 = arith.addf %add3A_124, %reduce_min3A_144 : f32
    %eq3A_146 = vector.broadcast %reduce_min3A_144 : f32 to vector<1x128xf32>
    %eq3A_147 = arith.cmpf oeq, %select_n3A_139, %eq3A_146 : vector<1x128xf32>
    %jit3A_148 = arith.constant 128 : i32
    %broadcast_in_dim3A_149 = vector.broadcast %jit3A_148 : i32 to vector<1x128xi32>
    %select_n3A_150 = arith.select %eq3A_147, %iota3A_55, %broadcast_in_dim3A_149 : vector<1x128xi1>, vector<1x128xi32>
    %reduce_min3A_151 = vector.shape_cast %select_n3A_150 : vector<1x128xi32> to vector<1x1x128xi32>
    %reduce_min3A_152 = arith.constant dense<2147483647> : vector<1xi32>
    %reduce_min3A_153 = vector.multi_reduction <minsi>, %reduce_min3A_151, %reduce_min3A_152 [1, 2] : vector<1x1x128xi32> to vector<1xi32>
    %reduce_min3A_154 = vector.shape_cast %reduce_min3A_153 : vector<1xi32> to vector<1x1x1xi32>
    %reduce_min3A_155 = vector.extract %reduce_min3A_154[0, 0, 0] : i32 from vector<1x1x1xi32>
    %eq3A_156 = vector.broadcast %reduce_min3A_155 : i32 to vector<1x128xi32>
    %eq3A_157 = arith.cmpi eq, %iota3A_55, %eq3A_156 : vector<1x128xi32>
    %jit3A_158 = arith.constant 0x7F800000 : f32
    %broadcast_in_dim3A_159 = vector.broadcast %jit3A_158 : f32 to vector<1x128xf32>
    %select_n3A_160 = arith.select %eq3A_157, %broadcast_in_dim3A_159, %select_n3A_139 : vector<1x128xi1>, vector<1x128xf32>
    %reduce_min3A_161 = vector.shape_cast %select_n3A_160 : vector<1x128xf32> to vector<1x1x128xf32>
    %reduce_min3A_162 = arith.constant dense<0x7F800000> : vector<1xf32>
    %reduce_min3A_163 = vector.multi_reduction <minimumf>, %reduce_min3A_161, %reduce_min3A_162 [1, 2] : vector<1x1x128xf32> to vector<1xf32>
    %reduce_min3A_164 = vector.shape_cast %reduce_min3A_163 : vector<1xf32> to vector<1x1x1xf32>
    %reduce_min3A_165 = vector.extract %reduce_min3A_164[0, 0, 0] : f32 from vector<1x1x1xf32>
    %add3A_166 = arith.addf %add3A_145, %reduce_min3A_165 : f32
    %eq3A_167 = vector.broadcast %reduce_min3A_165 : f32 to vector<1x128xf32>
    %eq3A_168 = arith.cmpf oeq, %select_n3A_160, %eq3A_167 : vector<1x128xf32>
    %jit3A_169 = arith.constant 128 : i32
    %broadcast_in_dim3A_170 = vector.broadcast %jit3A_169 : i32 to vector<1x128xi32>
    %select_n3A_171 = arith.select %eq3A_168, %iota3A_55, %broadcast_in_dim3A_170 : vector<1x128xi1>, vector<1x128xi32>
    %reduce_min3A_172 = vector.shape_cast %select_n3A_171 : vector<1x128xi32> to vector<1x1x128xi32>
    %reduce_min3A_173 = arith.constant dense<2147483647> : vector<1xi32>
    %reduce_min3A_174 = vector.multi_reduction <minsi>, %reduce_min3A_172, %reduce_min3A_173 [1, 2] : vector<1x1x128xi32> to vector<1xi32>
    %reduce_min3A_175 = vector.shape_cast %reduce_min3A_174 : vector<1xi32> to vector<1x1x1xi32>
    %reduce_min3A_176 = vector.extract %reduce_min3A_175[0, 0, 0] : i32 from vector<1x1x1xi32>
    %eq3A_177 = vector.broadcast %reduce_min3A_176 : i32 to vector<1x128xi32>
    %eq3A_178 = arith.cmpi eq, %iota3A_55, %eq3A_177 : vector<1x128xi32>
    %jit3A_179 = arith.constant 0x7F800000 : f32
    %broadcast_in_dim3A_180 = vector.broadcast %jit3A_179 : f32 to vector<1x128xf32>
    %select_n3A_181 = arith.select %eq3A_178, %broadcast_in_dim3A_180, %select_n3A_160 : vector<1x128xi1>, vector<1x128xf32>
    %reduce_min3A_182 = vector.shape_cast %select_n3A_181 : vector<1x128xf32> to vector<1x1x128xf32>
    %reduce_min3A_183 = arith.constant dense<0x7F800000> : vector<1xf32>
    %reduce_min3A_184 = vector.multi_reduction <minimumf>, %reduce_min3A_182, %reduce_min3A_183 [1, 2] : vector<1x1x128xf32> to vector<1xf32>
    %reduce_min3A_185 = vector.shape_cast %reduce_min3A_184 : vector<1xf32> to vector<1x1x1xf32>
    %reduce_min3A_186 = vector.extract %reduce_min3A_185[0, 0, 0] : f32 from vector<1x1x1xf32>
    %add3A_187 = arith.addf %add3A_166, %reduce_min3A_186 : f32
    %eq3A_188 = vector.broadcast %reduce_min3A_186 : f32 to vector<1x128xf32>
    %eq3A_189 = arith.cmpf oeq, %select_n3A_181, %eq3A_188 : vector<1x128xf32>
    %jit3A_190 = arith.constant 128 : i32
    %broadcast_in_dim3A_191 = vector.broadcast %jit3A_190 : i32 to vector<1x128xi32>
    %select_n3A_192 = arith.select %eq3A_189, %iota3A_55, %broadcast_in_dim3A_191 : vector<1x128xi1>, vector<1x128xi32>
    %reduce_min3A_193 = vector.shape_cast %select_n3A_192 : vector<1x128xi32> to vector<1x1x128xi32>
    %reduce_min3A_194 = arith.constant dense<2147483647> : vector<1xi32>
    %reduce_min3A_195 = vector.multi_reduction <minsi>, %reduce_min3A_193, %reduce_min3A_194 [1, 2] : vector<1x1x128xi32> to vector<1xi32>
    %reduce_min3A_196 = vector.shape_cast %reduce_min3A_195 : vector<1xi32> to vector<1x1x1xi32>
    %reduce_min3A_197 = vector.extract %reduce_min3A_196[0, 0, 0] : i32 from vector<1x1x1xi32>
    %eq3A_198 = vector.broadcast %reduce_min3A_197 : i32 to vector<1x128xi32>
    %eq3A_199 = arith.cmpi eq, %iota3A_55, %eq3A_198 : vector<1x128xi32>
    %jit3A_200 = arith.constant 0x7F800000 : f32
    %broadcast_in_dim3A_201 = vector.broadcast %jit3A_200 : f32 to vector<1x128xf32>
    %select_n3A_202 = arith.select %eq3A_199, %broadcast_in_dim3A_201, %select_n3A_181 : vector<1x128xi1>, vector<1x128xf32>
    %reduce_min3A_203 = vector.shape_cast %select_n3A_202 : vector<1x128xf32> to vector<1x1x128xf32>
    %reduce_min3A_204 = arith.constant dense<0x7F800000> : vector<1xf32>
    %reduce_min3A_205 = vector.multi_reduction <minimumf>, %reduce_min3A_203, %reduce_min3A_204 [1, 2] : vector<1x1x128xf32> to vector<1xf32>
    %reduce_min3A_206 = vector.shape_cast %reduce_min3A_205 : vector<1xf32> to vector<1x1x1xf32>
    %reduce_min3A_207 = vector.extract %reduce_min3A_206[0, 0, 0] : f32 from vector<1x1x1xf32>
    %add3A_208 = arith.addf %add3A_187, %reduce_min3A_207 : f32
    %eq3A_209 = vector.broadcast %reduce_min3A_207 : f32 to vector<1x128xf32>
    %eq3A_210 = arith.cmpf oeq, %select_n3A_202, %eq3A_209 : vector<1x128xf32>
    %jit3A_211 = arith.constant 128 : i32
    %broadcast_in_dim3A_212 = vector.broadcast %jit3A_211 : i32 to vector<1x128xi32>
    %select_n3A_213 = arith.select %eq3A_210, %iota3A_55, %broadcast_in_dim3A_212 : vector<1x128xi1>, vector<1x128xi32>
    %reduce_min3A_214 = vector.shape_cast %select_n3A_213 : vector<1x128xi32> to vector<1x1x128xi32>
    %reduce_min3A_215 = arith.constant dense<2147483647> : vector<1xi32>
    %reduce_min3A_216 = vector.multi_reduction <minsi>, %reduce_min3A_214, %reduce_min3A_215 [1, 2] : vector<1x1x128xi32> to vector<1xi32>
    %reduce_min3A_217 = vector.shape_cast %reduce_min3A_216 : vector<1xi32> to vector<1x1x1xi32>
    %reduce_min3A_218 = vector.extract %reduce_min3A_217[0, 0, 0] : i32 from vector<1x1x1xi32>
    %eq3A_219 = vector.broadcast %reduce_min3A_218 : i32 to vector<1x128xi32>
    %eq3A_220 = arith.cmpi eq, %iota3A_55, %eq3A_219 : vector<1x128xi32>
    %jit3A_221 = arith.constant 0x7F800000 : f32
    %broadcast_in_dim3A_222 = vector.broadcast %jit3A_221 : f32 to vector<1x128xf32>
    %select_n3A_223 = arith.select %eq3A_220, %broadcast_in_dim3A_222, %select_n3A_202 : vector<1x128xi1>, vector<1x128xf32>
    %reduce_min3A_224 = vector.shape_cast %select_n3A_223 : vector<1x128xf32> to vector<1x1x128xf32>
    %reduce_min3A_225 = arith.constant dense<0x7F800000> : vector<1xf32>
    %reduce_min3A_226 = vector.multi_reduction <minimumf>, %reduce_min3A_224, %reduce_min3A_225 [1, 2] : vector<1x1x128xf32> to vector<1xf32>
    %reduce_min3A_227 = vector.shape_cast %reduce_min3A_226 : vector<1xf32> to vector<1x1x1xf32>
    %reduce_min3A_228 = vector.extract %reduce_min3A_227[0, 0, 0] : f32 from vector<1x1x1xf32>
    %add3A_229 = arith.addf %add3A_208, %reduce_min3A_228 : f32
    %eq3A_230 = vector.broadcast %reduce_min3A_228 : f32 to vector<1x128xf32>
    %eq3A_231 = arith.cmpf oeq, %select_n3A_223, %eq3A_230 : vector<1x128xf32>
    %jit3A_232 = arith.constant 128 : i32
    %broadcast_in_dim3A_233 = vector.broadcast %jit3A_232 : i32 to vector<1x128xi32>
    %select_n3A_234 = arith.select %eq3A_231, %iota3A_55, %broadcast_in_dim3A_233 : vector<1x128xi1>, vector<1x128xi32>
    %reduce_min3A_235 = vector.shape_cast %select_n3A_234 : vector<1x128xi32> to vector<1x1x128xi32>
    %reduce_min3A_236 = arith.constant dense<2147483647> : vector<1xi32>
    %reduce_min3A_237 = vector.multi_reduction <minsi>, %reduce_min3A_235, %reduce_min3A_236 [1, 2] : vector<1x1x128xi32> to vector<1xi32>
    %reduce_min3A_238 = vector.shape_cast %reduce_min3A_237 : vector<1xi32> to vector<1x1x1xi32>
    %reduce_min3A_239 = vector.extract %reduce_min3A_238[0, 0, 0] : i32 from vector<1x1x1xi32>
    %eq3A_240 = vector.broadcast %reduce_min3A_239 : i32 to vector<1x128xi32>
    %eq3A_241 = arith.cmpi eq, %iota3A_55, %eq3A_240 : vector<1x128xi32>
    %jit3A_242 = arith.constant 0x7F800000 : f32
    %broadcast_in_dim3A_243 = vector.broadcast %jit3A_242 : f32 to vector<1x128xf32>
    %select_n3A_244 = arith.select %eq3A_241, %broadcast_in_dim3A_243, %select_n3A_223 : vector<1x128xi1>, vector<1x128xf32>
    %reduce_min3A_245 = vector.shape_cast %select_n3A_244 : vector<1x128xf32> to vector<1x1x128xf32>
    %reduce_min3A_246 = arith.constant dense<0x7F800000> : vector<1xf32>
    %reduce_min3A_247 = vector.multi_reduction <minimumf>, %reduce_min3A_245, %reduce_min3A_246 [1, 2] : vector<1x1x128xf32> to vector<1xf32>
    %reduce_min3A_248 = vector.shape_cast %reduce_min3A_247 : vector<1xf32> to vector<1x1x1xf32>
    %reduce_min3A_249 = vector.extract %reduce_min3A_248[0, 0, 0] : f32 from vector<1x1x1xf32>
    %add3A_250 = arith.addf %add3A_229, %reduce_min3A_249 : f32
    %eq3A_251 = vector.broadcast %reduce_min3A_249 : f32 to vector<1x128xf32>
    %eq3A_252 = arith.cmpf oeq, %select_n3A_244, %eq3A_251 : vector<1x128xf32>
    %jit3A_253 = arith.constant 128 : i32
    %broadcast_in_dim3A_254 = vector.broadcast %jit3A_253 : i32 to vector<1x128xi32>
    %select_n3A_255 = arith.select %eq3A_252, %iota3A_55, %broadcast_in_dim3A_254 : vector<1x128xi1>, vector<1x128xi32>
    %reduce_min3A_256 = vector.shape_cast %select_n3A_255 : vector<1x128xi32> to vector<1x1x128xi32>
    %reduce_min3A_257 = arith.constant dense<2147483647> : vector<1xi32>
    %reduce_min3A_258 = vector.multi_reduction <minsi>, %reduce_min3A_256, %reduce_min3A_257 [1, 2] : vector<1x1x128xi32> to vector<1xi32>
    %reduce_min3A_259 = vector.shape_cast %reduce_min3A_258 : vector<1xi32> to vector<1x1x1xi32>
    %reduce_min3A_260 = vector.extract %reduce_min3A_259[0, 0, 0] : i32 from vector<1x1x1xi32>
    %eq3A_261 = vector.broadcast %reduce_min3A_260 : i32 to vector<1x128xi32>
    %eq3A_262 = arith.cmpi eq, %iota3A_55, %eq3A_261 : vector<1x128xi32>
    %jit3A_263 = arith.constant 0x7F800000 : f32
    %broadcast_in_dim3A_264 = vector.broadcast %jit3A_263 : f32 to vector<1x128xf32>
    %select_n3A_265 = arith.select %eq3A_262, %broadcast_in_dim3A_264, %select_n3A_244 : vector<1x128xi1>, vector<1x128xf32>
    %reduce_min3A_266 = vector.shape_cast %select_n3A_265 : vector<1x128xf32> to vector<1x1x128xf32>
    %reduce_min3A_267 = arith.constant dense<0x7F800000> : vector<1xf32>
    %reduce_min3A_268 = vector.multi_reduction <minimumf>, %reduce_min3A_266, %reduce_min3A_267 [1, 2] : vector<1x1x128xf32> to vector<1xf32>
    %reduce_min3A_269 = vector.shape_cast %reduce_min3A_268 : vector<1xf32> to vector<1x1x1xf32>
    %reduce_min3A_270 = vector.extract %reduce_min3A_269[0, 0, 0] : f32 from vector<1x1x1xf32>
    %add3A_271 = arith.addf %add3A_250, %reduce_min3A_270 : f32
    %eq3A_272 = vector.broadcast %reduce_min3A_270 : f32 to vector<1x128xf32>
    %eq3A_273 = arith.cmpf oeq, %select_n3A_265, %eq3A_272 : vector<1x128xf32>
    %jit3A_274 = arith.constant 128 : i32
    %broadcast_in_dim3A_275 = vector.broadcast %jit3A_274 : i32 to vector<1x128xi32>
    %select_n3A_276 = arith.select %eq3A_273, %iota3A_55, %broadcast_in_dim3A_275 : vector<1x128xi1>, vector<1x128xi32>
    %reduce_min3A_277 = vector.shape_cast %select_n3A_276 : vector<1x128xi32> to vector<1x1x128xi32>
    %reduce_min3A_278 = arith.constant dense<2147483647> : vector<1xi32>
    %reduce_min3A_279 = vector.multi_reduction <minsi>, %reduce_min3A_277, %reduce_min3A_278 [1, 2] : vector<1x1x128xi32> to vector<1xi32>
    %reduce_min3A_280 = vector.shape_cast %reduce_min3A_279 : vector<1xi32> to vector<1x1x1xi32>
    %reduce_min3A_281 = vector.extract %reduce_min3A_280[0, 0, 0] : i32 from vector<1x1x1xi32>
    %eq3A_282 = vector.broadcast %reduce_min3A_281 : i32 to vector<1x128xi32>
    %eq3A_283 = arith.cmpi eq, %iota3A_55, %eq3A_282 : vector<1x128xi32>
    %jit3A_284 = arith.constant 0x7F800000 : f32
    %broadcast_in_dim3A_285 = vector.broadcast %jit3A_284 : f32 to vector<1x128xf32>
    %select_n3A_286 = arith.select %eq3A_283, %broadcast_in_dim3A_285, %select_n3A_265 : vector<1x128xi1>, vector<1x128xf32>
    %reduce_min3A_287 = vector.shape_cast %select_n3A_286 : vector<1x128xf32> to vector<1x1x128xf32>
    %reduce_min3A_288 = arith.constant dense<0x7F800000> : vector<1xf32>
    %reduce_min3A_289 = vector.multi_reduction <minimumf>, %reduce_min3A_287, %reduce_min3A_288 [1, 2] : vector<1x1x128xf32> to vector<1xf32>
    %reduce_min3A_290 = vector.shape_cast %reduce_min3A_289 : vector<1xf32> to vector<1x1x1xf32>
    %reduce_min3A_291 = vector.extract %reduce_min3A_290[0, 0, 0] : f32 from vector<1x1x1xf32>
    %add3A_292 = arith.addf %add3A_271, %reduce_min3A_291 : f32
    %eq3A_293 = vector.broadcast %reduce_min3A_291 : f32 to vector<1x128xf32>
    %eq3A_294 = arith.cmpf oeq, %select_n3A_286, %eq3A_293 : vector<1x128xf32>
    %jit3A_295 = arith.constant 128 : i32
    %broadcast_in_dim3A_296 = vector.broadcast %jit3A_295 : i32 to vector<1x128xi32>
    %select_n3A_297 = arith.select %eq3A_294, %iota3A_55, %broadcast_in_dim3A_296 : vector<1x128xi1>, vector<1x128xi32>
    %reduce_min3A_298 = vector.shape_cast %select_n3A_297 : vector<1x128xi32> to vector<1x1x128xi32>
    %reduce_min3A_299 = arith.constant dense<2147483647> : vector<1xi32>
    %reduce_min3A_300 = vector.multi_reduction <minsi>, %reduce_min3A_298, %reduce_min3A_299 [1, 2] : vector<1x1x128xi32> to vector<1xi32>
    %reduce_min3A_301 = vector.shape_cast %reduce_min3A_300 : vector<1xi32> to vector<1x1x1xi32>
    %reduce_min3A_302 = vector.extract %reduce_min3A_301[0, 0, 0] : i32 from vector<1x1x1xi32>
    %eq3A_303 = vector.broadcast %reduce_min3A_302 : i32 to vector<1x128xi32>
    %eq3A_304 = arith.cmpi eq, %iota3A_55, %eq3A_303 : vector<1x128xi32>
    %jit3A_305 = arith.constant 0x7F800000 : f32
    %broadcast_in_dim3A_306 = vector.broadcast %jit3A_305 : f32 to vector<1x128xf32>
    %select_n3A_307 = arith.select %eq3A_304, %broadcast_in_dim3A_306, %select_n3A_286 : vector<1x128xi1>, vector<1x128xf32>
    %reduce_min3A_308 = vector.shape_cast %select_n3A_307 : vector<1x128xf32> to vector<1x1x128xf32>
    %reduce_min3A_309 = arith.constant dense<0x7F800000> : vector<1xf32>
    %reduce_min3A_310 = vector.multi_reduction <minimumf>, %reduce_min3A_308, %reduce_min3A_309 [1, 2] : vector<1x1x128xf32> to vector<1xf32>
    %reduce_min3A_311 = vector.shape_cast %reduce_min3A_310 : vector<1xf32> to vector<1x1x1xf32>
    %reduce_min3A_312 = vector.extract %reduce_min3A_311[0, 0, 0] : f32 from vector<1x1x1xf32>
    %add3A_313 = arith.addf %add3A_292, %reduce_min3A_312 : f32
    %eq3A_314 = vector.broadcast %reduce_min3A_312 : f32 to vector<1x128xf32>
    %eq3A_315 = arith.cmpf oeq, %select_n3A_307, %eq3A_314 : vector<1x128xf32>
    %jit3A_316 = arith.constant 128 : i32
    %broadcast_in_dim3A_317 = vector.broadcast %jit3A_316 : i32 to vector<1x128xi32>
    %select_n3A_318 = arith.select %eq3A_315, %iota3A_55, %broadcast_in_dim3A_317 : vector<1x128xi1>, vector<1x128xi32>
    %reduce_min3A_319 = vector.shape_cast %select_n3A_318 : vector<1x128xi32> to vector<1x1x128xi32>
    %reduce_min3A_320 = arith.constant dense<2147483647> : vector<1xi32>
    %reduce_min3A_321 = vector.multi_reduction <minsi>, %reduce_min3A_319, %reduce_min3A_320 [1, 2] : vector<1x1x128xi32> to vector<1xi32>
    %reduce_min3A_322 = vector.shape_cast %reduce_min3A_321 : vector<1xi32> to vector<1x1x1xi32>
    %reduce_min3A_323 = vector.extract %reduce_min3A_322[0, 0, 0] : i32 from vector<1x1x1xi32>
    %eq3A_324 = vector.broadcast %reduce_min3A_323 : i32 to vector<1x128xi32>
    %eq3A_325 = arith.cmpi eq, %iota3A_55, %eq3A_324 : vector<1x128xi32>
    %jit3A_326 = arith.constant 0x7F800000 : f32
    %broadcast_in_dim3A_327 = vector.broadcast %jit3A_326 : f32 to vector<1x128xf32>
    %select_n3A_328 = arith.select %eq3A_325, %broadcast_in_dim3A_327, %select_n3A_307 : vector<1x128xi1>, vector<1x128xf32>
    %reduce_min3A_329 = vector.shape_cast %select_n3A_328 : vector<1x128xf32> to vector<1x1x128xf32>
    %reduce_min3A_330 = arith.constant dense<0x7F800000> : vector<1xf32>
    %reduce_min3A_331 = vector.multi_reduction <minimumf>, %reduce_min3A_329, %reduce_min3A_330 [1, 2] : vector<1x1x128xf32> to vector<1xf32>
    %reduce_min3A_332 = vector.shape_cast %reduce_min3A_331 : vector<1xf32> to vector<1x1x1xf32>
    %reduce_min3A_333 = vector.extract %reduce_min3A_332[0, 0, 0] : f32 from vector<1x1x1xf32>
    %add3A_334 = arith.addf %add3A_313, %reduce_min3A_333 : f32
    %eq3A_335 = vector.broadcast %reduce_min3A_333 : f32 to vector<1x128xf32>
    %eq3A_336 = arith.cmpf oeq, %select_n3A_328, %eq3A_335 : vector<1x128xf32>
    %jit3A_337 = arith.constant 128 : i32
    %broadcast_in_dim3A_338 = vector.broadcast %jit3A_337 : i32 to vector<1x128xi32>
    %select_n3A_339 = arith.select %eq3A_336, %iota3A_55, %broadcast_in_dim3A_338 : vector<1x128xi1>, vector<1x128xi32>
    %reduce_min3A_340 = vector.shape_cast %select_n3A_339 : vector<1x128xi32> to vector<1x1x128xi32>
    %reduce_min3A_341 = arith.constant dense<2147483647> : vector<1xi32>
    %reduce_min3A_342 = vector.multi_reduction <minsi>, %reduce_min3A_340, %reduce_min3A_341 [1, 2] : vector<1x1x128xi32> to vector<1xi32>
    %reduce_min3A_343 = vector.shape_cast %reduce_min3A_342 : vector<1xi32> to vector<1x1x1xi32>
    %reduce_min3A_344 = vector.extract %reduce_min3A_343[0, 0, 0] : i32 from vector<1x1x1xi32>
    %eq3A_345 = vector.broadcast %reduce_min3A_344 : i32 to vector<1x128xi32>
    %eq3A_346 = arith.cmpi eq, %iota3A_55, %eq3A_345 : vector<1x128xi32>
    %jit3A_347 = arith.constant 0x7F800000 : f32
    %broadcast_in_dim3A_348 = vector.broadcast %jit3A_347 : f32 to vector<1x128xf32>
    %select_n3A_349 = arith.select %eq3A_346, %broadcast_in_dim3A_348, %select_n3A_328 : vector<1x128xi1>, vector<1x128xf32>
    %reduce_min3A_350 = vector.shape_cast %select_n3A_349 : vector<1x128xf32> to vector<1x1x128xf32>
    %reduce_min3A_351 = arith.constant dense<0x7F800000> : vector<1xf32>
    %reduce_min3A_352 = vector.multi_reduction <minimumf>, %reduce_min3A_350, %reduce_min3A_351 [1, 2] : vector<1x1x128xf32> to vector<1xf32>
    %reduce_min3A_353 = vector.shape_cast %reduce_min3A_352 : vector<1xf32> to vector<1x1x1xf32>
    %reduce_min3A_354 = vector.extract %reduce_min3A_353[0, 0, 0] : f32 from vector<1x1x1xf32>
    %add3A_355 = arith.addf %add3A_334, %reduce_min3A_354 : f32
    %eq3A_356 = vector.broadcast %reduce_min3A_354 : f32 to vector<1x128xf32>
    %eq3A_357 = arith.cmpf oeq, %select_n3A_349, %eq3A_356 : vector<1x128xf32>
    %jit3A_358 = arith.constant 128 : i32
    %broadcast_in_dim3A_359 = vector.broadcast %jit3A_358 : i32 to vector<1x128xi32>
    %select_n3A_360 = arith.select %eq3A_357, %iota3A_55, %broadcast_in_dim3A_359 : vector<1x128xi1>, vector<1x128xi32>
    %reduce_min3A_361 = vector.shape_cast %select_n3A_360 : vector<1x128xi32> to vector<1x1x128xi32>
    %reduce_min3A_362 = arith.constant dense<2147483647> : vector<1xi32>
    %reduce_min3A_363 = vector.multi_reduction <minsi>, %reduce_min3A_361, %reduce_min3A_362 [1, 2] : vector<1x1x128xi32> to vector<1xi32>
    %reduce_min3A_364 = vector.shape_cast %reduce_min3A_363 : vector<1xi32> to vector<1x1x1xi32>
    %reduce_min3A_365 = vector.extract %reduce_min3A_364[0, 0, 0] : i32 from vector<1x1x1xi32>
    %eq3A_366 = vector.broadcast %reduce_min3A_365 : i32 to vector<1x128xi32>
    %eq3A_367 = arith.cmpi eq, %iota3A_55, %eq3A_366 : vector<1x128xi32>
    %jit3A_368 = arith.constant 0x7F800000 : f32
    %broadcast_in_dim3A_369 = vector.broadcast %jit3A_368 : f32 to vector<1x128xf32>
    %select_n3A_370 = arith.select %eq3A_367, %broadcast_in_dim3A_369, %select_n3A_349 : vector<1x128xi1>, vector<1x128xf32>
    %reduce_min3A_371 = vector.shape_cast %select_n3A_370 : vector<1x128xf32> to vector<1x1x128xf32>
    %reduce_min3A_372 = arith.constant dense<0x7F800000> : vector<1xf32>
    %reduce_min3A_373 = vector.multi_reduction <minimumf>, %reduce_min3A_371, %reduce_min3A_372 [1, 2] : vector<1x1x128xf32> to vector<1xf32>
    %reduce_min3A_374 = vector.shape_cast %reduce_min3A_373 : vector<1xf32> to vector<1x1x1xf32>
    %reduce_min3A_375 = vector.extract %reduce_min3A_374[0, 0, 0] : f32 from vector<1x1x1xf32>
    %add3A_376 = arith.addf %add3A_355, %reduce_min3A_375 : f32
    %div3A = arith.constant 1.600000e+01 : f32
    %div3A_377 = arith.divf %add3A_376, %div3A : f32
    %swap3A = arith.constant 0 : index
    %swap3A_378 = arith.constant 0 : index
    %swap3A_379 = memref.load %arg5[%swap3A, %swap3A_378] : memref<1x1xf32, #tpu.memory_space<smem>>
    memref.store %div3A_377, %arg5[%swap3A, %swap3A_378] : memref<1x1xf32, #tpu.memory_space<smem>>
    return
  }
  func.func @transform_0(%arg0: i32, %arg1: memref<1xi32, #tpu.memory_space<smem>>) -> (i32, i32) {
    %get3A = arith.constant 0 : index
    %get3A_0 = memref.load %arg1[%get3A] : memref<1xi32, #tpu.memory_space<smem>>
    %jit3A = arith.constant 8 : i32
    %div3A = arith.divsi %get3A_0, %jit3A : i32
    %sign3A = arith.constant 0 : i32
    %sign3A_1 = arith.cmpi sgt, %get3A_0, %sign3A : i32
    %sign3A_2 = arith.extui %sign3A_1 : i1 to i32
    %sign3A_3 = arith.constant 0 : i32
    %sign3A_4 = arith.cmpi slt, %get3A_0, %sign3A_3 : i32
    %sign3A_5 = arith.extui %sign3A_4 : i1 to i32
    %sign3A_6 = arith.subi %sign3A_2, %sign3A_5 : i32
    %sign3A_7 = arith.constant 0 : i32
    %sign3A_8 = arith.cmpi sgt, %jit3A, %sign3A_7 : i32
    %sign3A_9 = arith.extui %sign3A_8 : i1 to i32
    %sign3A_10 = arith.constant 0 : i32
    %sign3A_11 = arith.cmpi slt, %jit3A, %sign3A_10 : i32
    %sign3A_12 = arith.extui %sign3A_11 : i1 to i32
    %sign3A_13 = arith.subi %sign3A_9, %sign3A_12 : i32
    %ne3A = arith.cmpi ne, %sign3A_6, %sign3A_13 : i32
    %rem3A = arith.remsi %get3A_0, %jit3A : i32
    %ne3A_14 = arith.constant 0 : i32
    %ne3A_15 = arith.cmpi ne, %rem3A, %ne3A_14 : i32
    %and3A = arith.andi %ne3A, %ne3A_15 : i1
    %sub3A = arith.constant 1 : i32
    %sub3A_16 = arith.subi %div3A, %sub3A : i32
    %select_n3A = arith.select %and3A, %sub3A_16, %div3A : i32
    %c0_i32 = arith.constant 0 : i32
    %c0_i32_17 = arith.constant 0 : i32
    return %select_n3A, %c0_i32 : i32, i32
  }
  func.func @transform_1(%arg0: i32, %arg1: memref<1xi32, #tpu.memory_space<smem>>) -> (i32, i32) {
    %c0_i32 = arith.constant 0 : i32
    %c0_i32_0 = arith.constant 0 : i32
    %c0_i32_1 = arith.constant 0 : i32
    return %c0_i32, %c0_i32_0 : i32, i32
  }
  func.func @transform_2(%arg0: i32, %arg1: memref<1xi32, #tpu.memory_space<smem>>) -> (i32, i32) {
    %c0_i32 = arith.constant 0 : i32
    %c0_i32_0 = arith.constant 0 : i32
    %c0_i32_1 = arith.constant 0 : i32
    return %c0_i32, %c0_i32_0 : i32, i32
  }
  func.func @transform_3(%arg0: i32, %arg1: memref<1xi32, #tpu.memory_space<smem>>) -> (i32, i32) {
    %c0_i32 = arith.constant 0 : i32
    %c0_i32_0 = arith.constant 0 : i32
    %c0_i32_1 = arith.constant 0 : i32
    return %c0_i32, %c0_i32_0 : i32, i32
  }
}

</mosaic_0001>

<sc_bundles>
// kernel: _run.5.cloned.1.call-start
scs
__scs_entry_jumppad:
0x0: {  	(pc) =	sbr.rel $0x88, $3  }
0x1: {  	(tag) =	ssettag $0x0;
	lr =	simm.s32 $0x1  }
0x2: {  	[smem:$0x3F9F] =	sst lr;
	_ =	strace $0xD0000000  }
0x3: {  	_ = 	snop  }
0x4: {  	_ = 	snop  }
0x5: {  	_ = 	snop  }
0x6: {  	_ = 	snop  }
0x7: {  	_ = 	snop  }
__scs_overlays_trampoline_lowered:
0x8: {  	[smem:$0x3FAE] =	sst s0  }
0x9: {  	[smem:$0x3FAF] =	sst s1  }
0xa: {  	[smem:$0x3FB0] =	sst s2  }
0xb: {  	[smem:$0x3FB1] =	sst s3  }
0xc: {  	[smem:$0x3FB2] =	sst s4  }
0xd: {  	[smem:$0x3FB3] =	sst s5  }
0xe: {  	[smem:$0x3FB4] =	sst s6  }
0xf: {  	[smem:$0x3FB5] =	sst s7  }
0x10: {  	[smem:$0x3FB6] =	sst s8  }
0x11: {  	[smem:$0x3FB7] =	sst s9;
	s0 =	simm.s32 @!p0 $0x0  }
0x12: {  	s1 =	sld [smem:$0x3F9D];
	s0 =	simm.s32 @p0 $0x1  }
0x13: {  	[smem:$0x3FB8] =	sst s0;
	s0 =	simm.s32 @!p1 $0x0  }
0x14: {  	s2 =	sld [smem:$0x3F9C];
	s0 =	simm.s32 @p1 $0x1  }
0x15: {  	[smem:$0x3FB9] =	sst s0;
	s0 =	simm.s32 @!p2 $0x0  }
0x16: {  	s3 =	sld [smem:$0x3FDB];
	s0 =	simm.s32 @p2 $0x1  }
0x17: {  	s4 =	simm.s32 $0x1BF5;
	[smem:$0x3FBB] =	sst s0  }
0x18: {  	s0 =	sld [smem:$0x3F9E];
	_ =	swait.ge [sflag:s4], $0x0  }
0x19: {  	s7 =	sld [smem:$0x3F9F]  }
0x1a: {  	s8 =	sadd.s32 $0xFFFFE003, lr  }
0x1b: {  	s9 =	sadd.s32 $0xFFFFFEF7, lr;
	s5 =	simm.s32 $0xFFFFFFFF;
	p2 =	slt.u32 s8, $0xFFFFF086  }
0x1c: {  	p1 =	slt.u32 s9, $0xF7A;
	s5 =	simm.s32 @!p2 $0x0  }
0x1d: {  	s5 =	simm.s32 @p1 $0x1;
	p0 =	seq.s32 s7, s2  }
0x1e: {  	s7 =	smul.u32 @!p0 $0xF7A, s2;
	p2 =	seq.s32 @!p0 s5, $0x0  }
0x1f: {  	s9 =	smul.u32 $0xF7A, s1;
	s8 =	simm.s32 @!p0 $0x1BF5;
	p2 =	por !p2, p0  }
0x20: {  	[sflag:s8] =	ssyncset.s32 @!p0 $0xFFFFF086;
	s6 =	sadd.s32 @!p0 s3, s7;
	s7 =	simm.s32 @!p0 $0x108  }
0x21: {  	s3 =	sadd.s32 s3, s9;
	s6 =	sadd.s32 @!p0 $0x88, s6;
	s7 =	simm.s32 @p2 $0x1082  }
0x22: {  	[simem:s7], [sflag:s8] =	dma.local @!p0 [hbm:s6], $0xF7A  }
0x23: {  	s9 =	sor.u32 $0xD0000000, s2;
	s6 =	simm.s32 $0x108;
	_ =	swait.ge @!p0 [sflag:s8], $0x0  }
0x24: {  	s3 =	sadd.s32 $0x88, s3;
	s6 =	simm.s32 @!p1 $0x1082;
	[sflag:s4] =	ssyncset.s32 $0xFFFFF086  }
0x25: {  	[simem:s6], [sflag:s4] =	dma.local [hbm:s3], $0xF7A  }
0x26: {  	[smem:$0x3F9F] =	sst s1;
	(tag) =	ssettag s2;
	_ =	strace s9  }
0x27: {  	s1 =	sld [smem:$0x3FAF]  }
0x28: {  	s2 =	sld [smem:$0x3FB0]  }
0x29: {  	s4 =	sld [smem:$0x3FB2]  }
0x2a: {  	p0 =	seq.s32 s5, $0x0;
	s5 =	sld [smem:$0x3FB3]  }
0x2b: {  	s6 =	sld [smem:$0x3FB4]  }
0x2c: {  	s7 =	sld [smem:$0x3FB5]  }
0x2d: {  	s3 =	simm.s32 $0x108;
	s8 =	sld [smem:$0x3FB6]  }
0x2e: {  	s3 =	simm.s32 @!p0 $0x1082;
	s9 =	sld [smem:$0x3FB7]  }
0x2f: {  	lr =	sadd.s32 s0, s3;
	s0 =	sld [smem:$0x3FAE]  }
0x30: {  	s3 =	sld [smem:$0x3FB1]  }
0x31: {  	[smem:$0x3FBA] =	sst s10  }
0x32: {  	s10 =	sld [smem:$0x3FB8];
	_ =	sdelay $0x3  }
0x33: {  	p0 =	seq.s32 s10, $0x1;
	s10 =	sld [smem:$0x3FBA];
	_ =	sdelay $0x3  }
0x34: {  	[smem:$0x3FBA] =	sst s10  }
0x35: {  	s10 =	sld [smem:$0x3FB9];
	_ =	sdelay $0x3  }
0x36: {  	p1 =	seq.s32 s10, $0x1;
	s10 =	sld [smem:$0x3FBA];
	_ =	sdelay $0x3  }
0x37: {  	[smem:$0x3FBA] =	sst s10  }
0x38: {  	s10 =	sld [smem:$0x3FBB]  }
0x39: {  	_ = 	snop;
	(pc) =	sbr.ind lr, $3  }
0x3a: {  	_ = 	snop  }
0x3b: {  	_ = 	snop  }
0x3c: {  	p2 =	seq.s32 s10, $0x1;
	s10 =	sld [smem:$0x3FBA]  }
0x3d: {  	_ =	shalt  }
0x3e: {  	_ =	shalt  }
0x3f: {  	_ =	shalt  }
0x40: {  	_ =	shalt  }
0x41: {  	_ =	shalt  }
0x42: {  	_ =	shalt  }
0x43: {  	_ =	shalt  }
0x44: {  	_ =	shalt  }
0x45: {  	_ =	shalt  }
0x46: {  	_ =	shalt  }
0x47: {  	_ =	shalt  }
0x48: {  	_ =	shalt  }
0x49: {  	_ =	shalt  }
0x4a: {  	_ =	shalt  }
0x4b: {  	_ =	shalt  }
0x4c: {  	_ =	shalt  }
0x4d: {  	_ =	shalt  }
0x4e: {  	_ =	shalt  }
0x4f: {  	_ =	shalt  }
0x50: {  	_ =	shalt  }
0x51: {  	_ =	shalt  }
0x52: {  	_ =	shalt  }
0x53: {  	_ =	shalt  }
0x54: {  	_ =	shalt  }
0x55: {  	_ =	shalt  }
0x56: {  	_ =	shalt  }
0x57: {  	_ =	shalt  }
0x58: {  	_ =	shalt  }
0x59: {  	_ =	shalt  }
0x5a: {  	_ =	shalt  }
0x5b: {  	_ =	shalt  }
0x5c: {  	_ =	shalt  }
0x5d: {  	_ =	shalt  }
0x5e: {  	_ =	shalt  }
0x5f: {  	_ =	shalt  }
0x60: {  	_ =	shalt  }
0x61: {  	_ =	shalt  }
0x62: {  	_ =	shalt  }
0x63: {  	_ =	shalt  }
0x64: {  	_ =	shalt  }
0x65: {  	_ =	shalt  }
0x66: {  	_ =	shalt  }
0x67: {  	_ =	shalt  }
0x68: {  	_ =	shalt  }
0x69: {  	_ =	shalt  }
0x6a: {  	_ =	shalt  }
0x6b: {  	_ =	shalt  }
0x6c: {  	_ =	shalt  }
0x6d: {  	_ =	shalt  }
0x6e: {  	_ =	shalt  }
0x6f: {  	_ =	shalt  }
0x70: {  	_ =	shalt  }
0x71: {  	_ =	shalt  }
0x72: {  	_ =	shalt  }
0x73: {  	_ =	shalt  }
0x74: {  	_ =	shalt  }
0x75: {  	_ =	shalt  }
0x76: {  	_ =	shalt  }
0x77: {  	_ =	shalt  }
0x78: {  	_ =	shalt  }
0x79: {  	_ =	shalt  }
0x7a: {  	_ =	shalt  }
0x7b: {  	_ =	shalt  }
0x7c: {  	_ =	shalt  }
0x7d: {  	_ =	shalt  }
0x7e: {  	_ =	shalt  }
0x7f: {  	_ =	shalt  }
0x80: {  	_ =	shalt  }
0x81: {  	_ =	shalt  }
0x82: {  	_ =	shalt  }
0x83: {  	_ =	shalt  }
0x84: {  	_ =	shalt  }
0x85: {  	_ =	shalt  }
0x86: {  	_ =	shalt  }
0x87: {  	_ =	shalt  }
.Lfunc_end0:
.L_simem_size_0:
called_computation_lowered:
.L_overlay_start_0:
0x88: {  	s2 =	sld [smem:$0x3FD9]  }
0x89: {  	s3 =	sld [smem:$0x3FFE];
	_ =	sdelay $0x1  }
0x8a: {  	s1 =	srdreg.scid  }
0x8b: {  	s0 =	sand.u32 $0x1, s1  }
0x8c: {  	s17 =	sshll.u32 s0, $0xA;
	s2 =	sadd.s32 s3, s2  }
0x8d: {  	s2 =	sadd.s32 s2, s17  }
0x8e: {  	[smem:$0x3FC6] =	sst s2  }
0x8f: {  	_ = 	snop  }
0x90: {  	s2 =	sld [smem:$0x3FC8];
	(tm) =	ssettm $0x1  }
0x91: {  	s18 =	sld [smem:$0x3FFB];
	_ =	sdelay $0x3  }
0x92: {  	_ =	strace s18  }
0x93: {  	s3 =	sld [smem:$0x3FFC];
	_ =	sdelay $0x3  }
0x94: {  	_ =	strace s3  }
0x95: {  	s3 =	sld [smem:$0x3FFD];
	_ =	sdelay $0x3  }
0x96: {  	_ =	strace s3  }
0x97: {  	_ =	strace $0x8FFFFFFF  }
0x98: {  	s19 =	sld [smem:$0x3FDB];
	_ =	sdelay $0x1  }
0x99: {  	s4 =	simm.s32 $_scs_section_size  }
0x9a: {  	s5 =	simm.s32 $_size__tile_overlayer_lowered;
	s6 =	simm.s32 $_tile_overlayer_lowered  }
0x9b: {  	s22 =	simm.s32 $0x1BFF;
	s21 =	sshll.u32 s6, $0x1;
	s3 =	sadd.s32 s4, s19  }
0x9c: {  	s7 =	simm.s32 $0x0;
	s20 =	sshll.u32 s5, $0x1;
	s5 =	sadd.s32 s21, s3  }
0x9d: {  	[timem:s7], [sflag:s22] =	dma.local [hbm:s5], s20  }
0x9e: {  	_ =	swait.ge [sflag:s22], s20  }
0x9f: {  	s4 =	ssub.s32 $0x0, s20;
	[sflag:s22] =	ssyncset.done $0x0  }
0xa0: {  	[sflag:s22] =	ssyncadd.s32 s4;
	_ =	sdelay $0x1  }
0xa1: {  	s23 =	simm.s32 $0x1B8B  }
0xa2: {  	_ =	swait.ge [sflag:s23], $0x1  }
0xa3: {  	[sflag:s23] =	ssyncset.done $0x0  }
0xa4: {  	s25 =	simm.s32 $0x1B8E;
	s24 =	sld [smem:$0x3FFE];
	[sflag:s23] =	ssyncadd.s32 $0xFFFFFFFF  }
0xa5: {  	s26 =	simm.s32 $execute0_lowered;
	[smem:$0x3FD2] =	sst s25  }
0xa6: {  	s5 =	sshll.u32 s26, $0x1;
	_ =	strace $0x80000046;
	[dreg:$0x1] =	wrdreg $0xFFFFFFFF  }
0xa7: {  	s28 =	simm.s32 $_size_execute0_lowered;
	s3 =	sadd.s32 s3, s5;
	[dreg:$0x0] =	wrdreg $0x0  }
0xa8: {  	s5 =	sshll.u32 s28, $0x1;
	[dreg:$0x2] =	wrdreg s3  }
0xa9: {  	[dreg:$0x3] =	wrdreg s5  }
0xaa: {  	[dreg:$0x4] =	wrdreg $0xC0  }
0xab: {  	_ =	task [dreg:s7], $0x5FFFF  }
0xac: {  	[dreg:$0x1] =	wrdreg $0xFFFFFFFF  }
0xad: {  	[dreg:$0x0] =	wrdreg $0x60  }
0xae: {  	[dreg:$0x2] =	wrdreg s2  }
0xaf: {  	[dreg:$0x3] =	wrdreg s24  }
0xb0: {  	[dreg:$0x4] =	wrdreg $0x9  }
0xb1: {  	_ =	task.clear_ibuf [dreg:s7], $0x5FFFF;
	_ =	strace $0x90000046  }
0xb2: {  	s29 =	simm.s32 $0x9;
	_ =	strace $0x80000048  }
0xb3: {  	_ =	swait.ge [sflag:s29], $0x1  }
0xb4: {  	[sflag:s29] =	ssyncadd.s32 $0xFFFFFFFF  }
0xb5: {  	_ =	strace $0x90000048  }
0xb6: {  	_ =	sfence  }
0xb7: {  	s30 =	sld [smem:$0x0];
	_ =	sdelay $0x2  }
0xb8: {  	s31 =	sshll.u32 s1, $0xD;
	s1 =	sshrl.u32 s1, $0x2  }
0xb9: {  	s3 =	sand.u32 $0x4000, s31;
	s1 =	sadd.s32 s1, s30  }
0xba: {  	s0 =	sor.u32 s3, s0;
	s1 =	sshll.u32 s1, $0x11  }
0xbb: {  	s0 =	sor.u32 s1, s0  }
0xbc: {  	s0 =	sadd.s32 $0x8F2B, s0  }
0xbd: {  	[sflag:s0] =	ssyncadd.remote.s32 $0x1  }
0xbe: {  	_ =	sfence.sel $0xFFFF  }
0xbf: {  	[dreg:$0x0] =	wrdreg $0xFFFFFFFF;
	(pc) =	sbr.abs _section_cstart, $3  }
0xc0: {  	[dreg:$0x1] =	wrdreg $0xFFFFFFFF  }
0xc1: {  	_ =	task.clear_ibuf [dreg:s7], $0x2FFFF;
	_ =	strace $0x9FFFFFFF  }
0xc2: {  	(tm) =	ssettm $0x7FFFFFFF  }
0xc3: {  	_ =	shalt  }
tec
execute0_lowered:
.L_overlay_start_1:
0x0: {  	(tag) =	ssettag $0x1  }
0x1: {  	s2 =	rddreg [dreg:$0x0];
	s1 =	srdreg.scid  }
0x2: {  	s0 =	stileid.u32;
	s4 =	rddreg [dreg:$0x1];
	s3 =	simm.s32 $0x0  }
0x3: {  	s12 =	simm.s32 $0x2;
	s13 =	simm.s32 $0x7D00;
	s14 =	simm.s32 $0x3  }
0x4: {  	s5 =	sand.u32 $0x1, s1;
	s6 =	sshll.u32 s0, $0x1;
	s1 =	rddreg [dreg:$0x2]  }
0x5: {  	s15 =	simm.s32 $0x0;
	[smem:$0x7FF] =	sst s3;
	s6 =	sor.u32 s5, s6  }
0x6: {  	_ =	strace $0x80000047;
	s5 =	ssub.s32 $0x2, s5;
	s7 =	smul.u32 $0x2EE00, s6  }
.Ltmp0:
0x7: {  	s6 =	sshll.u32 s6, $0x5;
	s8 =	sshrl.u32 s5, $0x1;
	(pc) =	sbr.rel .LBB2_1-.Ltmp0, $4  }
0x8: {  	s10 =	sadd.s32 s6, s4;
	s11 =	ssub.s32 s5, s8;
	s6 =	sadd.s32 $0x660D00, s7  }
0x9: {  	s9 =	sshrl.u32 s7, $0x3;
	s7 =	sadd.s32 $0x664B80, s7;
	s8 =	sadd.s32 $0x600, s10  }
0xa: {  	s10 =	simm.s32 $0x3E80;
	s31 =	sadd.s32 s2, s9;
	s9 =	smax.u32 s11, $0x1  }
0xb: {  	s11 =	simm.s32 $0x1;
	s4 =	sadd.s32 $0xCB200, s31;
	s5 =	sadd.s32 $0xCB9D0, s31  }
.LBB2_8:
0xc: {  	[tilespmem:$0x7D00] =	vst v11  }
0xd: {  	[tilespmem:$0x7D80] =	vst v7  }
0xe: {  	[tilespmem:$0x7D10] =	vst v10  }
0xf: {  	[tilespmem:$0x7D90] =	vst v6  }
0x10: {  	[tilespmem:$0x7D20] =	vst v9  }
0x11: {  	[tilespmem:$0x7DA0] =	vst v5  }
0x12: {  	[tilespmem:$0x7D30] =	vst v8  }
0x13: {  	[tilespmem:$0x7DB0] =	vst v4  }
0x14: {  	[tilespmem:$0x7D40] =	vst v15  }
0x15: {  	[tilespmem:$0x7DC0] =	vst v13  }
0x16: {  	[tilespmem:$0x7D50] =	vst v14  }
0x17: {  	[tilespmem:$0x7DD0] =	vst v12  }
0x18: {  	[tilespmem:$0x7D60] =	vst v3  }
0x19: {  	[tilespmem:$0x7DE0] =	vst v1;
	s15 =	sadd.s32 $0x1, s15  }
0x1a: {  	[tilespmem:$0x7D70] =	vst v2;
	p0 =	sne.s32 s15, s9  }
.Ltmp1:
0x1b: {  	[tilespmem:$0x7DF0] =	vst v0;
	(pc) =	sbr.rel @!p0 .LBB2_9-.Ltmp1, $4  }
0x1c: {  	[hbm4b:s8+s3] =	stream.linear.scatter [tilespmem:s13], [sflag:$0x3], $0x100, $0x38;
	[tilespmem:$0x7E00] =	vst v63  }
0x1d: {  	_ =	swait.ge [sflag:s14], $0x100  }
0x1e: {  	[sflag:s14] =	ssyncset.done $0x0  }
0x1f: {  	[sflag:s14] =	ssyncadd.s32 $0xFFFFFF00  }
.LBB2_1:
0x20: {  	v0 =	vimm.f32 $0.0e+00  }
0x21: {  	v1 =	vimm.f32 $0.0e+00;
	v12 =	vimm.f32 $0.0e+00;
	v13 =	vimm.f32 $0.0e+00  }
0x22: {  	v4 =	vimm.f32 $0.0e+00;
	v5 =	vimm.f32 $0.0e+00;
	v6 =	vimm.f32 $0.0e+00  }
0x23: {  	[tilespmem:s3], [sflag:$0x1] =	stream.linear.gather [hbm4b:s4+s3], $0x3E80, $0x38;
	v7 =	vimm.f32 $0.0e+00;
	v2 =	vimm.f32 $0.0e+00;
	v3 =	vimm.f32 $0.0e+00;
	[tilespmem:$0x7E00] =	vst v63  }
0x24: {  	v14 =	vimm.f32 $0.0e+00;
	v15 =	vimm.f32 $0.0e+00;
	v8 =	vimm.f32 $0.0e+00;
	s16 =	simm.s32 $0x0  }
0x25: {  	v9 =	vimm.f32 $0.0e+00;
	v10 =	vimm.f32 $0.0e+00;
	v11 =	vimm.f32 $0.0e+00;
	[tilespmem:s10], [sflag:$0x2] =	stream.linear.gather [hbm4b:s5+s3], $0x3E80, $0x38;
	[tilespmem:$0x7E00] =	vst v63  }
.LBB2_2:
0x26: {  	_ =	swait.ge [sflag:s11], $0x3E80  }
0x27: {  	[sflag:s11] =	ssyncset.done $0x0  }
0x28: {  	s17 =	simm.s32 $0x0;
	[sflag:s11] =	ssyncadd.s32 $0xFFFFC180  }
0x29: {  	v16 =	vld [tilespmem:s17+$0x0]  }
0x2a: {  	v17 =	vld [tilespmem:s17+$0x10]  }
0x2b: {  	v18 =	vld [tilespmem:s17+$0x80]  }
0x2c: {  	v25 =	vld [tilespmem:s17+$0x20]  }
0x2d: {  	v19 =	vld [tilespmem:s17+$0x90]  }
0x2e: {  	v20 =	vld [tilespmem:s17+$0x100]  }
0x2f: {  	v22 =	vld [tilespmem:s17+$0x110]  }
0x30: {  	v24 =	vld [tilespmem:s17+$0x180];
	v21 =	vmul.f32 v16, v16;
	v23 =	vmul.f32 v17, v17;
	v11 =	vadd.f32 v16, v11  }
0x31: {  	v10 =	vadd.f32 v17, v10;
	v26 =	vmul.f32 v25, v25;
	v9 =	vadd.f32 v25, v9;
	v25 =	vld [tilespmem:s17+$0x40]  }
0x32: {  	v16 =	vmul.f32 v18, v18;
	v7 =	vadd.f32 v21, v7;
	v21 =	vld [tilespmem:s17+$0x190];
	v6 =	vadd.f32 v23, v6  }
0x33: {  	v17 =	vmul.f32 v19, v19;
	v23 =	vld [tilespmem:s17+$0x200];
	v11 =	vadd.f32 v18, v11;
	v10 =	vadd.f32 v19, v10  }
0x34: {  	v18 =	vld [tilespmem:s17+$0x210];
	v5 =	vadd.f32 v26, v5;
	v7 =	vadd.f32 v16, v7  }
0x35: {  	v19 =	vld [tilespmem:s17+$0x30];
	v16 =	vmul.f32 v20, v20;
	v6 =	vadd.f32 v17, v6;
	v17 =	vmul.f32 v22, v22  }
0x36: {  	v11 =	vadd.f32 v20, v11;
	v10 =	vadd.f32 v22, v10;
	v28 =	vmul.f32 v25, v25  }
0x37: {  	v20 =	vld [tilespmem:s17+$0xA0];
	v15 =	vadd.f32 v25, v15;
	v7 =	vadd.f32 v16, v7;
	v16 =	vmul.f32 v24, v24  }
0x38: {  	v22 =	vld [tilespmem:s17+$0xB0];
	v6 =	vadd.f32 v17, v6;
	v11 =	vadd.f32 v24, v11;
	v17 =	vmul.f32 v21, v21  }
0x39: {  	v24 =	vld [tilespmem:s17+$0x120];
	v10 =	vadd.f32 v21, v10;
	v7 =	vadd.f32 v16, v7;
	v16 =	vmul.f32 v23, v23  }
0x3a: {  	v27 =	vld [tilespmem:s17+$0x130];
	v21 =	vmul.f32 v18, v18;
	v8 =	vadd.f32 v19, v8;
	v17 =	vadd.f32 v17, v6  }
0x3b: {  	v6 =	vadd.f32 v23, v11;
	v23 =	vld [tilespmem:s17+$0x1A0];
	v7 =	vadd.f32 v16, v7;
	v16 =	vmul.f32 v19, v19  }
0x3c: {  	v10 =	vadd.f32 v18, v10;
	v18 =	vld [tilespmem:s17+$0x1B0];
	v11 =	vadd.f32 v21, v17;
	v17 =	vmul.f32 v20, v20  }
0x3d: {  	v8 =	vadd.f32 v22, v8;
	v21 =	vld [tilespmem:s17+$0x220];
	v4 =	vadd.f32 v16, v4;
	v16 =	vmul.f32 v22, v22  }
0x3e: {  	v9 =	vadd.f32 v20, v9;
	v20 =	vld [tilespmem:s17+$0x230];
	v5 =	vadd.f32 v17, v5;
	v17 =	vmul.f32 v24, v24  }
0x3f: {  	v8 =	vadd.f32 v27, v8;
	v22 =	vld [tilespmem:s17+$0x50];
	v4 =	vadd.f32 v16, v4;
	v16 =	vmul.f32 v27, v27  }
0x40: {  	v9 =	vadd.f32 v24, v9;
	v24 =	vld [tilespmem:s17+$0xC0];
	v5 =	vadd.f32 v17, v5;
	v17 =	vmul.f32 v23, v23  }
0x41: {  	v26 =	vld [tilespmem:s17+$0xD0];
	v8 =	vadd.f32 v18, v8;
	v4 =	vadd.f32 v16, v4;
	v16 =	vmul.f32 v18, v18  }
0x42: {  	v9 =	vadd.f32 v23, v9;
	v23 =	vmul.f32 v21, v21;
	v5 =	vadd.f32 v17, v5;
	v17 =	vld [tilespmem:s17+$0x140]  }
0x43: {  	v19 =	vld [tilespmem:s17+$0x150];
	v27 =	vmul.f32 v20, v20;
	v8 =	vadd.f32 v20, v8;
	v16 =	vadd.f32 v16, v4  }
0x44: {  	v18 =	vld [tilespmem:s17+$0x1C0];
	v4 =	vadd.f32 v21, v9;
	v21 =	vmul.f32 v22, v22;
	v22 =	vadd.f32 v22, v14  }
0x45: {  	v20 =	vmul.f32 v24, v24;
	v9 =	vadd.f32 v27, v16;
	v16 =	vadd.f32 v28, v13;
	v13 =	vld [tilespmem:s17+$0x1D0]  }
0x46: {  	v15 =	vadd.f32 v24, v15;
	v25 =	vadd.f32 v21, v12;
	v27 =	vmul.f32 v26, v26;
	v12 =	vld [tilespmem:s17+$0x240]  }
0x47: {  	v14 =	vld [tilespmem:s17+$0x250];
	v5 =	vadd.f32 v23, v5;
	v20 =	vadd.f32 v20, v16;
	v23 =	vmul.f32 v17, v17  }
0x48: {  	s18 =	simm.s32 $0xA00;
	v24 =	vmul.f32 v19, v19;
	v21 =	vadd.f32 v26, v22;
	v16 =	vld [tilespmem:s17+$0x60];
	v22 =	vadd.f32 v27, v25  }
.LBB2_3:
0x49: {  	p0 =	sne.s32 s18, $0xF000;
	v25 =	vld [tilespmem:s17+$0x70];
	v15 =	vadd.f32 v17, v15;
	v17 =	vadd.f32 v23, v20;
	v20 =	vmul.f32 v18, v18  }
0x4a: {  	v23 =	vld [tilespmem:s17+$0xE0];
	v19 =	vadd.f32 v19, v21;
	v21 =	vadd.f32 v24, v22;
	v22 =	vmul.f32 v13, v13  }
0x4b: {  	v24 =	vld [tilespmem:s17+$0xF0];
	v15 =	vadd.f32 v18, v15;
	v17 =	vadd.f32 v20, v17;
	v18 =	vmul.f32 v12, v12  }
0x4c: {  	v20 =	vld [tilespmem:s17+$0x160];
	v19 =	vadd.f32 v13, v19;
	v21 =	vadd.f32 v22, v21;
	v22 =	vmul.f32 v14, v14  }
0x4d: {  	v26 =	vmul.f32 v16, v16;
	v27 =	vld [tilespmem:s17+$0x170];
	v12 =	vadd.f32 v12, v15;
	v13 =	vadd.f32 v18, v17  }
0x4e: {  	v17 =	vmul.f32 v25, v25;
	v18 =	vld [tilespmem:s17+$0x1E0];
	v14 =	vadd.f32 v14, v19;
	v15 =	vadd.f32 v22, v21  }
0x4f: {  	v3 =	vadd.f32 v16, v3;
	v1 =	vadd.f32 v26, v1;
	v16 =	vmul.f32 v23, v23;
	v19 =	vld [tilespmem:s17+$0x1F0]  }
0x50: {  	v2 =	vadd.f32 v25, v2;
	v0 =	vadd.f32 v17, v0;
	v17 =	vmul.f32 v24, v24;
	v21 =	vld [tilespmem:s17+$0x260]  }
0x51: {  	v3 =	vadd.f32 v23, v3;
	v1 =	vadd.f32 v16, v1;
	v16 =	vmul.f32 v20, v20;
	v22 =	vld [tilespmem:s17+$0x270];
	s17 =	sshra.s32 s18, $0x2  }
0x52: {  	v2 =	vadd.f32 v24, v2;
	v23 =	vld [tilespmem:s17+$0x0];
	v0 =	vadd.f32 v17, v0;
	v17 =	vmul.f32 v27, v27  }
0x53: {  	v3 =	vadd.f32 v20, v3;
	v24 =	vld [tilespmem:s17+$0x10];
	v1 =	vadd.f32 v16, v1;
	v16 =	vmul.f32 v18, v18  }
0x54: {  	v2 =	vadd.f32 v27, v2;
	v20 =	vld [tilespmem:s17+$0x80];
	v0 =	vadd.f32 v17, v0;
	v17 =	vmul.f32 v19, v19  }
0x55: {  	v3 =	vadd.f32 v18, v3;
	v25 =	vld [tilespmem:s17+$0x90];
	v1 =	vadd.f32 v16, v1;
	v16 =	vmul.f32 v21, v21  }
0x56: {  	v2 =	vadd.f32 v19, v2;
	v18 =	vld [tilespmem:s17+$0x100];
	v0 =	vadd.f32 v17, v0;
	v17 =	vmul.f32 v22, v22  }
0x57: {  	v3 =	vadd.f32 v21, v3;
	v19 =	vmul.f32 v23, v23;
	v26 =	vld [tilespmem:s17+$0x110];
	v1 =	vadd.f32 v16, v1  }
0x58: {  	v2 =	vadd.f32 v22, v2;
	v16 =	vmul.f32 v24, v24;
	v21 =	vld [tilespmem:s17+$0x180];
	v0 =	vadd.f32 v17, v0  }
0x59: {  	v6 =	vadd.f32 v23, v6;
	v7 =	vadd.f32 v19, v7;
	v17 =	vmul.f32 v20, v20;
	v19 =	vld [tilespmem:s17+$0x190]  }
0x5a: {  	v10 =	vadd.f32 v24, v10;
	v11 =	vadd.f32 v16, v11;
	v16 =	vmul.f32 v25, v25;
	v22 =	vld [tilespmem:s17+$0x200]  }
0x5b: {  	v6 =	vadd.f32 v20, v6;
	v7 =	vadd.f32 v17, v7;
	v17 =	vmul.f32 v18, v18;
	v20 =	vld [tilespmem:s17+$0x210]  }
0x5c: {  	v10 =	vadd.f32 v25, v10;
	v23 =	vld [tilespmem:s17+$0x20];
	v11 =	vadd.f32 v16, v11;
	v16 =	vmul.f32 v26, v26  }
0x5d: {  	v6 =	vadd.f32 v18, v6;
	v24 =	vld [tilespmem:s17+$0x30];
	v7 =	vadd.f32 v17, v7;
	v17 =	vmul.f32 v21, v21  }
0x5e: {  	v10 =	vadd.f32 v26, v10;
	v18 =	vld [tilespmem:s17+$0xA0];
	v11 =	vadd.f32 v16, v11;
	v16 =	vmul.f32 v19, v19  }
0x5f: {  	v6 =	vadd.f32 v21, v6;
	v25 =	vld [tilespmem:s17+$0xB0];
	v7 =	vadd.f32 v17, v7;
	v17 =	vmul.f32 v22, v22  }
0x60: {  	v10 =	vadd.f32 v19, v10;
	v21 =	vld [tilespmem:s17+$0x120];
	v11 =	vadd.f32 v16, v11;
	v16 =	vmul.f32 v20, v20  }
0x61: {  	v6 =	vadd.f32 v22, v6;
	v19 =	vmul.f32 v23, v23;
	v26 =	vld [tilespmem:s17+$0x130];
	v7 =	vadd.f32 v17, v7  }
0x62: {  	v10 =	vadd.f32 v20, v10;
	v17 =	vmul.f32 v24, v24;
	v22 =	vld [tilespmem:s17+$0x1A0];
	v11 =	vadd.f32 v16, v11  }
0x63: {  	v4 =	vadd.f32 v23, v4;
	v5 =	vadd.f32 v19, v5;
	v16 =	vmul.f32 v18, v18;
	v19 =	vld [tilespmem:s17+$0x1B0]  }
0x64: {  	v8 =	vadd.f32 v24, v8;
	v9 =	vadd.f32 v17, v9;
	v17 =	vmul.f32 v25, v25;
	v20 =	vld [tilespmem:s17+$0x220]  }
0x65: {  	v4 =	vadd.f32 v18, v4;
	v5 =	vadd.f32 v16, v5;
	v16 =	vmul.f32 v21, v21;
	v23 =	vld [tilespmem:s17+$0x230]  }
0x66: {  	v8 =	vadd.f32 v25, v8;
	v24 =	vld [tilespmem:s17+$0x40];
	v9 =	vadd.f32 v17, v9;
	v17 =	vmul.f32 v26, v26  }
0x67: {  	v4 =	vadd.f32 v21, v4;
	v25 =	vld [tilespmem:s17+$0x50];
	v5 =	vadd.f32 v16, v5;
	v16 =	vmul.f32 v22, v22  }
0x68: {  	v8 =	vadd.f32 v26, v8;
	v21 =	vld [tilespmem:s17+$0xC0];
	v9 =	vadd.f32 v17, v9;
	v18 =	vmul.f32 v19, v19  }
0x69: {  	v4 =	vadd.f32 v22, v4;
	v26 =	vld [tilespmem:s17+$0xD0];
	v5 =	vadd.f32 v16, v5;
	v16 =	vmul.f32 v20, v20  }
0x6a: {  	v8 =	vadd.f32 v19, v8;
	v17 =	vld [tilespmem:s17+$0x140];
	v9 =	vadd.f32 v18, v9;
	v22 =	vmul.f32 v23, v23  }
0x6b: {  	v4 =	vadd.f32 v20, v4;
	v27 =	vmul.f32 v24, v24;
	v19 =	vld [tilespmem:s17+$0x150];
	v5 =	vadd.f32 v16, v5  }
.Ltmp2:
0x6c: {  	v8 =	vadd.f32 v23, v8;
	v16 =	vmul.f32 v25, v25;
	v18 =	vld [tilespmem:s17+$0x1C0];
	v9 =	vadd.f32 v22, v9;
	(pc) =	sbr.rel @p0 .LBB2_3-.Ltmp2, $4  }
0x6d: {  	v20 =	vadd.f32 v24, v12;
	v22 =	vadd.f32 v27, v13;
	v23 =	vmul.f32 v21, v21;
	v13 =	vld [tilespmem:s17+$0x1D0]  }
0x6e: {  	v24 =	vadd.f32 v25, v14;
	v25 =	vadd.f32 v16, v15;
	v27 =	vmul.f32 v26, v26;
	v12 =	vld [tilespmem:s17+$0x240]  }
0x6f: {  	v15 =	vadd.f32 v21, v20;
	v20 =	vadd.f32 v23, v22;
	v23 =	vmul.f32 v17, v17;
	v14 =	vld [tilespmem:s17+$0x250]  }
0x70: {  	s18 =	sadd.s32 $0xA00, s18;
	v21 =	vadd.f32 v26, v24;
	v16 =	vld [tilespmem:s17+$0x60];
	v22 =	vadd.f32 v27, v25;
	v24 =	vmul.f32 v19, v19  }
0x71: {  	v25 =	vld [tilespmem:s17+$0x70]  }
0x72: {  	v26 =	vld [tilespmem:s17+$0xE0]  }
0x73: {  	v27 =	vld [tilespmem:s17+$0xF0]  }
0x74: {  	v28 =	vld [tilespmem:s17+$0x160];
	p0 =	seq.s32 s16, $0x5  }
0x75: {  	v15 =	vadd.f32 v17, v15;
	v17 =	vadd.f32 v23, v20;
	v20 =	vmul.f32 v18, v18;
	v23 =	vld [tilespmem:s17+$0x170];
	s18 =	smul.u32 @!p0 $0x7D00, s16  }
0x76: {  	v29 =	vld [tilespmem:s17+$0x260];
	v19 =	vadd.f32 v19, v21;
	v21 =	vadd.f32 v24, v22;
	v22 =	vmul.f32 v13, v13  }
0x77: {  	v24 =	vld [tilespmem:s17+$0x1E0];
	v15 =	vadd.f32 v18, v15;
	v17 =	vadd.f32 v20, v17;
	v18 =	vmul.f32 v12, v12;
	s18 =	sadd.s32 @!p0 s18, s6  }
0x78: {  	v20 =	vld [tilespmem:s17+$0x1F0];
	v19 =	vadd.f32 v13, v19;
	s18 =	sshrl.u32 @!p0 s18, $0x3  }
0x79: {  	v21 =	vadd.f32 v22, v21;
	v22 =	vmul.f32 v14, v14;
	v13 =	vadd.f32 v18, v17;
	v17 =	vld [tilespmem:s17+$0x270];
	s17 =	sadd.s32 @!p0 s2, s18;
	s18 =	simm.s32 @!p0 $0x0  }
0x7a: {  	v12 =	vadd.f32 v12, v15;
	v3 =	vadd.f32 v16, v3;
	v18 =	vmul.f32 v25, v25;
	[tilespmem:s18], [sflag:$0x1] =	stream.linear.gather @!p0 [hbm4b:s17+s18], $0x3E80, $0x38;
	[tilespmem:$0x7E00] =	vst v63  }
0x7b: {  	v30 =	vmul.f32 v16, v16;
	v14 =	vadd.f32 v14, v19;
	v15 =	vadd.f32 v22, v21;
	_ =	swait.ge [sflag:s12], $0x3E80  }
0x7c: {  	v2 =	vadd.f32 v25, v2;
	v0 =	vadd.f32 v18, v0;
	v18 =	vmul.f32 v27, v27;
	[sflag:s12] =	ssyncset.done $0x0  }
0x7d: {  	v16 =	vmul.f32 v26, v26;
	v1 =	vadd.f32 v30, v1;
	v3 =	vadd.f32 v26, v3;
	s17 =	simm.s32 $0x0;
	[sflag:s12] =	ssyncadd.s32 $0xFFFFC180  }
0x7e: {  	v2 =	vadd.f32 v27, v2;
	v0 =	vadd.f32 v18, v0;
	v18 =	vmul.f32 v23, v23;
	v19 =	vld [tilespmem:s17+$0x3E80]  }
0x7f: {  	v1 =	vadd.f32 v16, v1;
	v16 =	vmul.f32 v28, v28;
	v3 =	vadd.f32 v28, v3;
	v21 =	vld [tilespmem:s17+$0x3E90]  }
0x80: {  	v2 =	vadd.f32 v23, v2;
	v22 =	vld [tilespmem:s17+$0x3F00];
	v0 =	vadd.f32 v18, v0;
	v18 =	vmul.f32 v20, v20  }
0x81: {  	v1 =	vadd.f32 v16, v1;
	v16 =	vmul.f32 v24, v24;
	v3 =	vadd.f32 v24, v3;
	v23 =	vld [tilespmem:s17+$0x3F10]  }
0x82: {  	v24 =	vld [tilespmem:s17+$0x3F80];
	v2 =	vadd.f32 v20, v2;
	v20 =	vmul.f32 v17, v17;
	v18 =	vadd.f32 v18, v0  }
0x83: {  	v25 =	vld [tilespmem:s17+$0x3F90];
	v1 =	vadd.f32 v16, v1;
	v16 =	vmul.f32 v29, v29  }
0x84: {  	v0 =	vadd.f32 v29, v3;
	v3 =	vadd.f32 v20, v18;
	v18 =	vld [tilespmem:s17+$0x4000]  }
0x85: {  	v1 =	vadd.f32 v16, v1;
	v16 =	vmul.f32 v19, v19;
	v6 =	vadd.f32 v19, v6;
	v19 =	vld [tilespmem:s17+$0x4010]  }
0x86: {  	v2 =	vadd.f32 v17, v2;
	v17 =	vmul.f32 v21, v21;
	v20 =	vld [tilespmem:s17+$0x4080]  }
0x87: {  	v10 =	vadd.f32 v21, v10;
	v21 =	vld [tilespmem:s17+$0x4090];
	v7 =	vadd.f32 v16, v7;
	v16 =	vmul.f32 v22, v22  }
0x88: {  	v11 =	vadd.f32 v17, v11;
	v17 =	vmul.f32 v23, v23;
	v6 =	vadd.f32 v22, v6;
	v22 =	vld [tilespmem:s17+$0x3EA0]  }
0x89: {  	v10 =	vadd.f32 v23, v10;
	v23 =	vld [tilespmem:s17+$0x3EB0];
	v7 =	vadd.f32 v16, v7;
	v16 =	vmul.f32 v24, v24  }
0x8a: {  	v11 =	vadd.f32 v17, v11;
	v17 =	vmul.f32 v25, v25;
	v6 =	vadd.f32 v24, v6  }
0x8b: {  	v10 =	vadd.f32 v25, v10;
	v7 =	vadd.f32 v16, v7;
	v16 =	vmul.f32 v18, v18  }
0x8c: {  	v24 =	vld [tilespmem:s17+$0x3F20];
	v11 =	vadd.f32 v17, v11;
	v17 =	vmul.f32 v19, v19;
	v6 =	vadd.f32 v18, v6  }
0x8d: {  	v25 =	vld [tilespmem:s17+$0x3F30];
	v10 =	vadd.f32 v19, v10;
	v19 =	vmul.f32 v21, v21;
	v4 =	vadd.f32 v22, v4  }
0x8e: {  	v18 =	vld [tilespmem:s17+$0x3FA0];
	v8 =	vadd.f32 v23, v8;
	v7 =	vadd.f32 v16, v7;
	v16 =	vmul.f32 v20, v20  }
0x8f: {  	v27 =	vld [tilespmem:s17+$0x3FB0];
	v26 =	vmul.f32 v22, v22;
	v17 =	vadd.f32 v17, v11;
	v11 =	vadd.f32 v20, v6  }
0x90: {  	v20 =	vld [tilespmem:s17+$0x4020];
	v10 =	vadd.f32 v21, v10;
	v7 =	vadd.f32 v16, v7;
	v16 =	vmul.f32 v23, v23  }
0x91: {  	v5 =	vadd.f32 v26, v5;
	v6 =	vadd.f32 v19, v17;
	v17 =	vmul.f32 v24, v24;
	v19 =	vld [tilespmem:s17+$0x4030]  }
0x92: {  	v22 =	vld [tilespmem:s17+$0x40B0];
	v4 =	vadd.f32 v24, v4;
	v9 =	vadd.f32 v16, v9;
	v16 =	vmul.f32 v25, v25  }
0x93: {  	v21 =	vld [tilespmem:s17+$0x40A0];
	v8 =	vadd.f32 v25, v8;
	v5 =	vadd.f32 v17, v5;
	v17 =	vmul.f32 v18, v18  }
0x94: {  	v23 =	vld [tilespmem:s17+$0x3EC0];
	v4 =	vadd.f32 v18, v4;
	v9 =	vadd.f32 v16, v9;
	v16 =	vmul.f32 v27, v27  }
0x95: {  	v24 =	vld [tilespmem:s17+$0x3ED0];
	v8 =	vadd.f32 v27, v8;
	v5 =	vadd.f32 v17, v5  }
0x96: {  	v25 =	vld [tilespmem:s17+$0x3F40];
	v17 =	vmul.f32 v20, v20;
	v18 =	vmul.f32 v19, v19;
	v9 =	vadd.f32 v16, v9  }
0x97: {  	v26 =	vld [tilespmem:s17+$0x3F50];
	v4 =	vadd.f32 v20, v4;
	v20 =	vmul.f32 v22, v22;
	v8 =	vadd.f32 v19, v8  }
0x98: {  	v5 =	vadd.f32 v17, v5;
	v17 =	vmul.f32 v21, v21;
	v16 =	vld [tilespmem:s17+$0x3FC0];
	v19 =	vadd.f32 v18, v9  }
0x99: {  	v27 =	vmul.f32 v23, v23;
	v8 =	vadd.f32 v22, v8;
	v18 =	vld [tilespmem:s17+$0x3FD0];
	v9 =	vadd.f32 v21, v4  }
0x9a: {  	v5 =	vadd.f32 v17, v5;
	v21 =	vmul.f32 v24, v24;
	v17 =	vld [tilespmem:s17+$0x4040];
	v4 =	vadd.f32 v20, v19  }
0x9b: {  	v22 =	vmul.f32 v25, v25;
	v19 =	vadd.f32 v23, v12;
	v20 =	vadd.f32 v27, v13;
	v13 =	vld [tilespmem:s17+$0x4050]  }
0x9c: {  	v23 =	vadd.f32 v24, v14;
	v24 =	vadd.f32 v21, v15;
	v27 =	vmul.f32 v26, v26;
	v12 =	vld [tilespmem:s17+$0x40C0]  }
0x9d: {  	v14 =	vld [tilespmem:s17+$0x40D0];
	v21 =	vmul.f32 v16, v16;
	v15 =	vadd.f32 v25, v19;
	v20 =	vadd.f32 v22, v20  }
0x9e: {  	s18 =	simm.s32 $0xA00;
	v19 =	vld [tilespmem:s17+$0x3EE0];
	v22 =	vadd.f32 v26, v23;
	v23 =	vadd.f32 v27, v24;
	v24 =	vmul.f32 v18, v18  }
.LBB2_5:
0x9f: {  	p1 =	sne.s32 s18, $0xF000;
	v25 =	vld [tilespmem:s17+$0x3EF0];
	v15 =	vadd.f32 v16, v15;
	v16 =	vadd.f32 v21, v20;
	v20 =	vmul.f32 v17, v17  }
0xa0: {  	v21 =	vld [tilespmem:s17+$0x3F60];
	v18 =	vadd.f32 v18, v22;
	v22 =	vadd.f32 v24, v23;
	v23 =	vmul.f32 v13, v13  }
0xa1: {  	v24 =	vld [tilespmem:s17+$0x3F70];
	v15 =	vadd.f32 v17, v15;
	v16 =	vadd.f32 v20, v16;
	v17 =	vmul.f32 v12, v12  }
0xa2: {  	v20 =	vld [tilespmem:s17+$0x3FE0];
	v18 =	vadd.f32 v13, v18;
	v22 =	vadd.f32 v23, v22;
	v23 =	vmul.f32 v14, v14  }
0xa3: {  	v26 =	vmul.f32 v19, v19;
	v27 =	vld [tilespmem:s17+$0x3FF0];
	v12 =	vadd.f32 v12, v15;
	v13 =	vadd.f32 v17, v16  }
0xa4: {  	v16 =	vmul.f32 v25, v25;
	v17 =	vld [tilespmem:s17+$0x4060];
	v14 =	vadd.f32 v14, v18;
	v15 =	vadd.f32 v23, v22  }
0xa5: {  	v0 =	vadd.f32 v19, v0;
	v1 =	vadd.f32 v26, v1;
	v18 =	vmul.f32 v21, v21;
	v19 =	vld [tilespmem:s17+$0x4070]  }
0xa6: {  	v2 =	vadd.f32 v25, v2;
	v3 =	vadd.f32 v16, v3;
	v16 =	vmul.f32 v24, v24;
	v22 =	vld [tilespmem:s17+$0x40E0]  }
0xa7: {  	v0 =	vadd.f32 v21, v0;
	v1 =	vadd.f32 v18, v1;
	v18 =	vmul.f32 v20, v20;
	v21 =	vld [tilespmem:s17+$0x40F0];
	s17 =	sshra.s32 s18, $0x2  }
0xa8: {  	v2 =	vadd.f32 v24, v2;
	v23 =	vld [tilespmem:s17+$0x3E80];
	v3 =	vadd.f32 v16, v3;
	v16 =	vmul.f32 v27, v27  }
0xa9: {  	v0 =	vadd.f32 v20, v0;
	v24 =	vld [tilespmem:s17+$0x3E90];
	v1 =	vadd.f32 v18, v1;
	v18 =	vmul.f32 v17, v17  }
0xaa: {  	v2 =	vadd.f32 v27, v2;
	v20 =	vld [tilespmem:s17+$0x3F00];
	v3 =	vadd.f32 v16, v3;
	v16 =	vmul.f32 v19, v19  }
0xab: {  	v0 =	vadd.f32 v17, v0;
	v25 =	vld [tilespmem:s17+$0x3F10];
	v1 =	vadd.f32 v18, v1;
	v17 =	vmul.f32 v22, v22  }
0xac: {  	v2 =	vadd.f32 v19, v2;
	v18 =	vld [tilespmem:s17+$0x3F80];
	v3 =	vadd.f32 v16, v3;
	v16 =	vmul.f32 v21, v21  }
0xad: {  	v0 =	vadd.f32 v22, v0;
	v19 =	vmul.f32 v23, v23;
	v26 =	vld [tilespmem:s17+$0x3F90];
	v1 =	vadd.f32 v17, v1  }
0xae: {  	v2 =	vadd.f32 v21, v2;
	v17 =	vmul.f32 v24, v24;
	v22 =	vld [tilespmem:s17+$0x4000];
	v3 =	vadd.f32 v16, v3  }
0xaf: {  	v11 =	vadd.f32 v23, v11;
	v7 =	vadd.f32 v19, v7;
	v16 =	vmul.f32 v20, v20;
	v19 =	vld [tilespmem:s17+$0x4010]  }
0xb0: {  	v10 =	vadd.f32 v24, v10;
	v6 =	vadd.f32 v17, v6;
	v17 =	vmul.f32 v25, v25;
	v21 =	vld [tilespmem:s17+$0x4080]  }
0xb1: {  	v11 =	vadd.f32 v20, v11;
	v7 =	vadd.f32 v16, v7;
	v16 =	vmul.f32 v18, v18;
	v20 =	vld [tilespmem:s17+$0x4090]  }
0xb2: {  	v10 =	vadd.f32 v25, v10;
	v23 =	vld [tilespmem:s17+$0x3EA0];
	v6 =	vadd.f32 v17, v6;
	v17 =	vmul.f32 v26, v26  }
0xb3: {  	v11 =	vadd.f32 v18, v11;
	v24 =	vld [tilespmem:s17+$0x3EB0];
	v7 =	vadd.f32 v16, v7;
	v16 =	vmul.f32 v22, v22  }
0xb4: {  	v10 =	vadd.f32 v26, v10;
	v18 =	vld [tilespmem:s17+$0x3F20];
	v6 =	vadd.f32 v17, v6;
	v17 =	vmul.f32 v19, v19  }
0xb5: {  	v11 =	vadd.f32 v22, v11;
	v25 =	vld [tilespmem:s17+$0x3F30];
	v7 =	vadd.f32 v16, v7;
	v16 =	vmul.f32 v21, v21  }
0xb6: {  	v10 =	vadd.f32 v19, v10;
	v22 =	vld [tilespmem:s17+$0x3FA0];
	v6 =	vadd.f32 v17, v6;
	v17 =	vmul.f32 v20, v20  }
0xb7: {  	v11 =	vadd.f32 v21, v11;
	v19 =	vmul.f32 v23, v23;
	v26 =	vld [tilespmem:s17+$0x3FB0];
	v7 =	vadd.f32 v16, v7  }
0xb8: {  	v10 =	vadd.f32 v20, v10;
	v16 =	vmul.f32 v24, v24;
	v21 =	vld [tilespmem:s17+$0x4020];
	v6 =	vadd.f32 v17, v6  }
0xb9: {  	v9 =	vadd.f32 v23, v9;
	v5 =	vadd.f32 v19, v5;
	v17 =	vmul.f32 v18, v18;
	v19 =	vld [tilespmem:s17+$0x4030]  }
0xba: {  	v8 =	vadd.f32 v24, v8;
	v4 =	vadd.f32 v16, v4;
	v16 =	vmul.f32 v25, v25;
	v20 =	vld [tilespmem:s17+$0x40A0]  }
0xbb: {  	v9 =	vadd.f32 v18, v9;
	v5 =	vadd.f32 v17, v5;
	v17 =	vmul.f32 v22, v22;
	v23 =	vld [tilespmem:s17+$0x40B0]  }
0xbc: {  	v8 =	vadd.f32 v25, v8;
	v24 =	vld [tilespmem:s17+$0x3EC0];
	v4 =	vadd.f32 v16, v4;
	v16 =	vmul.f32 v26, v26  }
0xbd: {  	v9 =	vadd.f32 v22, v9;
	v25 =	vld [tilespmem:s17+$0x3ED0];
	v5 =	vadd.f32 v17, v5;
	v17 =	vmul.f32 v21, v21  }
0xbe: {  	v8 =	vadd.f32 v26, v8;
	v22 =	vld [tilespmem:s17+$0x3F40];
	v4 =	vadd.f32 v16, v4;
	v18 =	vmul.f32 v19, v19  }
0xbf: {  	v9 =	vadd.f32 v21, v9;
	v26 =	vld [tilespmem:s17+$0x3F50];
	v5 =	vadd.f32 v17, v5;
	v17 =	vmul.f32 v20, v20  }
0xc0: {  	v8 =	vadd.f32 v19, v8;
	v16 =	vld [tilespmem:s17+$0x3FC0];
	v4 =	vadd.f32 v18, v4;
	v19 =	vmul.f32 v23, v23  }
0xc1: {  	v9 =	vadd.f32 v20, v9;
	v21 =	vmul.f32 v24, v24;
	v18 =	vld [tilespmem:s17+$0x3FD0];
	v5 =	vadd.f32 v17, v5  }
.Ltmp3:
0xc2: {  	v8 =	vadd.f32 v23, v8;
	v20 =	vmul.f32 v25, v25;
	v17 =	vld [tilespmem:s17+$0x4040];
	v4 =	vadd.f32 v19, v4;
	(pc) =	sbr.rel @p1 .LBB2_5-.Ltmp3, $4  }
0xc3: {  	v19 =	vadd.f32 v24, v12;
	v21 =	vadd.f32 v21, v13;
	v23 =	vmul.f32 v22, v22;
	v13 =	vld [tilespmem:s17+$0x4050]  }
0xc4: {  	v24 =	vadd.f32 v25, v14;
	v25 =	vadd.f32 v20, v15;
	v27 =	vmul.f32 v26, v26;
	v12 =	vld [tilespmem:s17+$0x40C0]  }
0xc5: {  	v15 =	vadd.f32 v22, v19;
	v20 =	vadd.f32 v23, v21;
	v21 =	vmul.f32 v16, v16;
	v14 =	vld [tilespmem:s17+$0x40D0]  }
0xc6: {  	s18 =	sadd.s32 $0xA00, s18;
	v22 =	vadd.f32 v26, v24;
	v19 =	vld [tilespmem:s17+$0x3EE0];
	v23 =	vadd.f32 v27, v25;
	v24 =	vmul.f32 v18, v18  }
0xc7: {  	v25 =	vld [tilespmem:s17+$0x3EF0];
	v15 =	vadd.f32 v16, v15;
	v16 =	vadd.f32 v21, v20;
	v50 =	vmul.f32 v17, v17  }
0xc8: {  	v51 =	vld [tilespmem:s17+$0x3F60];
	v18 =	vadd.f32 v18, v22;
	v52 =	vadd.f32 v24, v23;
	v53 =	vmul.f32 v13, v13  }
0xc9: {  	v54 =	vld [tilespmem:s17+$0x3F70];
	v15 =	vadd.f32 v17, v15;
	v16 =	vadd.f32 v50, v16;
	v17 =	vmul.f32 v12, v12  }
0xca: {  	v55 =	vld [tilespmem:s17+$0x3FE0];
	v18 =	vadd.f32 v13, v18;
	v22 =	vadd.f32 v53, v52;
	v56 =	vmul.f32 v14, v14  }
0xcb: {  	v27 =	vld [tilespmem:s17+$0x3FF0];
	v26 =	vmul.f32 v19, v19;
	v15 =	vadd.f32 v12, v15;
	v13 =	vadd.f32 v17, v16  }
0xcc: {  	v17 =	vld [tilespmem:s17+$0x4060];
	v0 =	vadd.f32 v19, v0;
	v16 =	vmul.f32 v25, v25;
	v14 =	vadd.f32 v14, v18  }
0xcd: {  	v58 =	vld [tilespmem:s17+$0x4070];
	v12 =	vadd.f32 v56, v22;
	v57 =	vmul.f32 v51, v51;
	v2 =	vadd.f32 v25, v2  }
0xce: {  	v61 =	vld [tilespmem:s17+$0x40F0];
	v1 =	vadd.f32 v26, v1;
	v3 =	vadd.f32 v16, v3;
	v16 =	vmul.f32 v54, v54  }
0xcf: {  	v59 =	vld [tilespmem:s17+$0x40E0];
	v60 =	vmul.f32 v55, v55;
	v0 =	vadd.f32 v51, v0;
	v2 =	vadd.f32 v54, v2  }
0xd0: {  	v1 =	vadd.f32 v57, v1;
	v3 =	vadd.f32 v16, v3;
	v16 =	vmul.f32 v27, v27  }
0xd1: {  	v0 =	vadd.f32 v55, v0;
	v62 =	vmul.f32 v17, v17;
	v2 =	vadd.f32 v27, v2  }
.Ltmp4:
0xd2: {  	v1 =	vadd.f32 v60, v1;
	v3 =	vadd.f32 v16, v3;
	v16 =	vmul.f32 v58, v58;
	(pc) =	sbr.rel @p0 .LBB2_8-.Ltmp4, $4  }
0xd3: {  	v63 =	vmul.f32 v61, v61;
	v0 =	vadd.f32 v17, v0;
	v2 =	vadd.f32 v58, v2  }
0xd4: {  	v17 =	vmul.f32 v59, v59;
	v1 =	vadd.f32 v62, v1;
	v16 =	vadd.f32 v16, v3  }
0xd5: {  	v3 =	vadd.f32 v59, v0;
	v2 =	vadd.f32 v61, v2  }
0xd6: {  	v1 =	vadd.f32 v17, v1;
	v0 =	vadd.f32 v63, v16  }
0xd7: {  	s17 =	smul.u32 $0x7D00, s16  }
.Ltmp5:
0xd8: {  	_ = 	snop;
	(pc) =	sbr.rel .LBB2_2-.Ltmp5, $4  }
0xd9: {  	s17 =	sadd.s32 s17, s7  }
0xda: {  	s17 =	sshrl.u32 s17, $0x3  }
0xdb: {  	s16 =	sadd.s32 $0x1, s16;
	s17 =	sadd.s32 s2, s17  }
0xdc: {  	[tilespmem:s10], [sflag:$0x2] =	stream.linear.gather [hbm4b:s17+s3], $0x3E80, $0x38;
	[tilespmem:$0x7E00] =	vst v63  }
.LBB2_9:
0xdd: {  	_ =	sfence.sel $0x180000  }
0xde: {  	[bflag:$0x0] =	sbarrier.arrive $0xFFFF  }
0xdf: {  	p0 =	sne.s32 s0, $0x0;
	_ =	strace $0x90000047  }
0xe0: {  	s0 =	sadd.s32 @!p0 $0x100000, s1;
	[bflag:$0x2] =	sbarrier.arrive $0xFFFF  }
0xe1: {  	[sflag:s0] =	ssyncadd.tile.s32 @!p0 $0x1;
	_ =	shalt  }
.Lfunc_end2:
_tile_overlayer_lowered:
.L_overlay_start_2:
0xe2: {  	(tag) =	ssettag $0x2  }
0xe3: {  	s0 =	rddreg [dreg:$0x0];
	s2 =	stileid.u32  }
0xe4: {  	s1 =	rddreg [dreg:$0x1];
	p0 =	sne.s32 s2, $0x0  }
0xe5: {  	s3 =	rddreg [dreg:$0x2];
	[bflag:$0x3] =	sbarrier.arrive $0xFFFF;
	s2 =	simm.s32 @!p0 $0x1C03  }
0xe6: {  	[timem:s3], [sflag:s2] =	dma.local @!p0 [hbm:s0], s1  }
0xe7: {  	s0 =	simm.s32 @!p0 $0x3  }
0xe8: {  	_ =	swait.ge @!p0 [sflag:s0], s1  }
0xe9: {  	s1 =	ssub.s32 @!p0 $0x0, s1;
	[sflag:s0] =	ssyncset.done @!p0 $0x0  }
0xea: {  	[sflag:s0] =	ssyncadd.s32 @!p0 s1  }
0xeb: {  	[bflag:$0x3] =	sbarrier.arrive $0xFFFF  }
0xec: {  	_ =	shalt  }

</sc_bundles>
